<compile_context>
chip_gen: v7x
topology: tpu7x:2x2x1
jax: 0.10.2.dev20260603
libtpu: 0.0.44.dev20260713+nightly
codegen_flags: <defaults>
</compile_context>

<pallas_src>
import jax
import jax.numpy as jnp
from jax import lax
from jax.experimental import pallas as pl
from jax.experimental.pallas import tpu as pltpu, tpu_sc as plsc

STRIDE = 4
B = 4
N_PER = 8192
NS = N_PER // STRIDE
NCORE = 2
NSUB = 16
TPB = 8
PTS = N_PER // TPB
L = 16
CH = PTS // L

F32 = jnp.float32
I32 = jnp.int32


def _fps_body(xs, ys, zs, np_out, idx_out,
              xv, yv, zv, dv, candv, gflat, tmpv, onp, oidx, spmem):
    c = lax.axis_index("c")
    s = lax.axis_index("s")
    batch = 2 * c + s // TPB
    slot = s % TPB
    base = batch * N_PER + slot * PTS
    bb = batch * N_PER
    grp = (s // TPB) * (TPB * L)

    iota = lax.iota(I32, L)

    pltpu.sync_copy(xs.at[pl.ds(base, PTS)], xv)
    pltpu.sync_copy(ys.at[pl.ds(base, PTS)], yv)
    pltpu.sync_copy(zs.at[pl.ds(base, PTS)], zv)

    big = jnp.full((L,), 1e10, F32)

    def init_chunk(j, _):
        dv[pl.ds(j * L, L)] = big
        return 0

    lax.fori_loop(0, CH, init_chunk, 0)

    def _lane0(v):
        return lax.broadcast(jnp.sum(jnp.where(iota == 0, v, 0.0)), (L,))

    pltpu.sync_copy(xs.at[pl.ds(bb, L)], tmpv)
    lx = _lane0(tmpv[...])
    pltpu.sync_copy(ys.at[pl.ds(bb, L)], tmpv)
    ly = _lane0(tmpv[...])
    pltpu.sync_copy(zs.at[pl.ds(bb, L)], tmpv)
    lz = _lane0(tmpv[...])

    def record(i, gidx_v, px, py, pz):
        pos = jnp.clip(iota + (3 * i - 2), 0, 3 * NS - 1)
        vals = jnp.where(iota == 2, px, jnp.where(iota == 3, py, pz))
        m = (iota >= 2) & (iota <= 4)
        plsc.store_scatter(onp, [pos], vals, mask=m)
        plsc.store_scatter(oidx, [lax.broadcast(i, (L,))], gidx_v,
                           mask=iota == 0)

    record(0, lax.broadcast(bb, (L,)), lx, ly, lz)

    big_i = jnp.full((L,), 2 ** 30, I32)
    neg = jnp.full((L,), -1.0, F32)

    def step(i, carry):
        lx, ly, lz = carry

        acc0 = tuple((neg, jnp.zeros((L,), I32)) for _ in range(4))

        @plsc.parallel_loop(0, CH // 4, unroll=2, carry=acc0)
        def chunk(q, acc):
            out = []
            for k in range(4):
                m, mj = acc[k]
                j = q * 4 + k
                off = j * L
                dx = xv[pl.ds(off, L)] - lx
                dy = yv[pl.ds(off, L)] - ly
                dz = zv[pl.ds(off, L)] - lz
                d = (dx * dx + dz * dz) + dy * dy
                nd = jnp.minimum(dv[pl.ds(off, L)], d)
                dv[pl.ds(off, L)] = nd
                upd = nd > m
                m = jnp.where(upd, nd, m)
                mj = jnp.where(upd, lax.broadcast(j, (L,)), mj)
                out.append((m, mj))
            return tuple(out)

        m, lin = chunk[0][0], chunk[0][1] * L + iota
        for k in range(1, 4):
            mk, link = chunk[k][0], chunk[k][1] * L + iota
            upd = (mk > m) | ((mk == m) & (link < lin))
            m = jnp.where(upd, mk, m)
            lin = jnp.where(upd, link, lin)
        gm = jnp.max(m)
        gmv = lax.broadcast(gm, (L,))
        li = jnp.min(jnp.where(m == gmv, lin, big_i))
        liv = lax.broadcast(li, (L,))
        cx = plsc.load_gather(xv, [liv])
        cy = plsc.load_gather(yv, [liv])
        cz = plsc.load_gather(zv, [liv])
        gidx_f = lax.broadcast(base + li, (L,)).astype(F32)
        cand = jnp.where(iota == 0, gmv,
               jnp.where(iota == 1, gidx_f,
               jnp.where(iota == 2, cx,
               jnp.where(iota == 3, cy, cz))))
        candv[...] = cand

        boff = (i % 2) * (NSUB * L)
        pltpu.sync_copy(candv, spmem.at[pl.ds(boff + s * L, L)])
        plsc.subcore_barrier()
        pltpu.sync_copy(spmem.at[pl.ds(boff + grp, TPB * L)], gflat)

        l8 = jnp.minimum(iota, TPB - 1) * L
        maxs = plsc.load_gather(gflat, [l8])
        idxf = plsc.load_gather(gflat, [l8 + 1])
        m8 = jnp.where(iota < TPB, maxs, neg)
        gv = lax.broadcast(jnp.max(m8), (L,))
        tie = m8 == gv
        idxi = idxf.astype(I32)
        widx = jnp.min(jnp.where(tie, idxi, big_i))
        widx_v = lax.broadcast(widx, (L,))
        wlane = jnp.min(jnp.where(tie & (idxi == widx_v), iota, big_i))
        wl = lax.broadcast(wlane * L, (L,))
        nlx = plsc.load_gather(gflat, [wl + 2])
        nly = plsc.load_gather(gflat, [wl + 3])
        nlz = plsc.load_gather(gflat, [wl + 4])
        record(i, widx_v, nlx, nly, nlz)
        return (nlx, nly, nlz)

    lax.fori_loop(1, NS, step, (lx, ly, lz))

    @pl.when(slot == 0)
    def _():
        pltpu.sync_copy(onp, np_out.at[pl.ds(batch * (3 * NS), 3 * NS)])
        pltpu.sync_copy(oidx, idx_out.at[pl.ds(batch * NS, NS)])


def _fps(xs, ys, zs):
    mesh = plsc.VectorSubcoreMesh(core_axis_name="c", subcore_axis_name="s",
                                  num_cores=NCORE, num_subcores=NSUB)
    return pl.kernel(
        _fps_body,
        out_type=(jax.ShapeDtypeStruct((B * 3 * NS,), F32),
                  jax.ShapeDtypeStruct((B * NS,), I32)),
        mesh=mesh,
        compiler_params=pltpu.CompilerParams(needs_layout_passes=False),
        scratch_types=(
            pltpu.VMEM((PTS,), F32),
            pltpu.VMEM((PTS,), F32),
            pltpu.VMEM((PTS,), F32),
            pltpu.VMEM((PTS,), F32),
            pltpu.VMEM((L,), F32),
            pltpu.VMEM((TPB * L,), F32),
            pltpu.VMEM((L,), F32),
            pltpu.VMEM((3 * NS,), F32),
            pltpu.VMEM((NS,), I32),
            pltpu.VMEM_SHARED((2 * NSUB * L,), F32),
        ),
    )(xs, ys, zs)


def kernel(p, o):
    xs = p[:, 0]
    ys = p[:, 1]
    zs = p[:, 2]
    np_flat, idx = _fps(xs, ys, zs)
    n_p = np_flat.reshape(B * NS, 3)
    counts = jnp.diff(jnp.concatenate([jnp.zeros((1,), o.dtype), o]))
    n_o = jnp.cumsum(counts // STRIDE).astype(o.dtype)
    return (n_p, n_o, idx)

# --- scband reference (transcript-rebuilt; emitter-appended) ---
"""Pipeline reference for scband-fpsampling-84052509982732 (READ-ONLY COPY).

The authoritative reference and input builder live on the scoring server;
editing this copy changes nothing except your own understanding.
"""

import jax, jax.numpy as jnp
import numpy as np

STRIDE = 4
B = 4
N_PER = 8192
N = B * N_PER


def setup_inputs(seed: int = 0) -> dict:
    key = jax.random.key(seed)
    p = jax.random.normal(key, (N, 3), dtype=jnp.float32) * 10.0
    # cumulative batch offsets: [8192, 16384, 24576, 32768]
    o = jnp.arange(1, B + 1, dtype=jnp.int32) * N_PER
    return {"p": p, "o": o}


def _fps_single(points, n_sample):
    # farthest point sampling on one segment of shape [n, 3]
    n = points.shape[0]
    dists = jnp.full((n,), 1e10, dtype=jnp.float32)
    idxs = jnp.zeros((n_sample,), dtype=jnp.int32)

    def body(i, state):
        dists, idxs = state
        last = points[idxs[i - 1]]
        d = jnp.sum((points - last) ** 2, axis=1)
        dists = jnp.minimum(dists, d)
        nxt = jnp.argmax(dists).astype(jnp.int32)
        idxs = idxs.at[i].set(nxt)
        return (dists, idxs)

    dists, idxs = jax.lax.fori_loop(1, n_sample, body, (dists, idxs))
    return idxs


def reference(p, o):
    stride = STRIDE
    # sampling_offset_helper: new per-batch counts = counts // stride, cumsum
    counts = jnp.diff(jnp.concatenate([jnp.zeros((1,), o.dtype), o]))
    n_counts = counts // stride
    n_o = jnp.cumsum(n_counts).astype(o.dtype)

    n_sample = N_PER // stride  # static python int
    pts = p.reshape(B, N_PER, 3)
    local_idx = jax.vmap(lambda q: _fps_single(q, n_sample))(pts)  # [B, n_sample]
    base = (jnp.arange(B, dtype=jnp.int32) * N_PER)[:, None]
    idx = (local_idx + base).reshape(-1)  # global indices into p, [B*n_sample]
    n_p = jnp.take(p, idx.astype(jnp.int64), axis=0)
    return (n_p, n_o, idx)

if __name__ == "__main__":
    import jax
    _d = setup_inputs()
    print(jax.jit(kernel)(*tuple(_d.values())))

</pallas_src>

<mosaic_0001>
#map = affine_map<(d0, d1) -> (0)>
module attributes {stable_mosaic.version = 14 : i64} {
  func.func @_fps_body(%arg0: i32, %arg1: i32, %arg2: memref<32768xf32, #tpu.memory_space<hbm>>, %arg3: memref<32768xf32, #tpu.memory_space<hbm>>, %arg4: memref<32768xf32, #tpu.memory_space<hbm>>, %arg5: memref<24576xf32, #tpu.memory_space<hbm>>, %arg6: memref<8192xi32, #tpu.memory_space<hbm>>, %arg7: memref<1024xf32, #tpu.memory_space<vmem>>, %arg8: memref<1024xf32, #tpu.memory_space<vmem>>, %arg9: memref<1024xf32, #tpu.memory_space<vmem>>, %arg10: memref<1024xf32, #tpu.memory_space<vmem>>, %arg11: memref<16xf32, #tpu.memory_space<vmem>>, %arg12: memref<128xf32, #tpu.memory_space<vmem>>, %arg13: memref<16xf32, #tpu.memory_space<vmem>>, %arg14: memref<6144xf32, #tpu.memory_space<vmem>>, %arg15: memref<2048xi32, #tpu.memory_space<vmem>>, %arg16: memref<512xf32, #tpu.memory_space<vmem_shared>>) attributes {dimension_semantics = [#tpu.dimension_semantics<core_parallel>, #tpu.dimension_semantics<subcore_parallel>], iteration_bounds = array<i64: 2, 16>, scalar_prefetch = 0 : i64, scratch_operands = 10 : i64, tpu.core_type = #tpu.core_type<sc_vector_subcore>, window_params = [{transform_indices = #map}, {transform_indices = #map}, {transform_indices = #map}, {transform_indices = #map}, {transform_indices = #map}]} {
    %mul3A = arith.constant 2 : i32
    %mul3A_0 = arith.muli %mul3A, %arg0 : i32
    %jit3A = arith.constant 8 : i32
    %div3A = arith.divsi %arg1, %jit3A : i32
    %sign3A = arith.constant 0 : i32
    %sign3A_1 = arith.cmpi sgt, %arg1, %sign3A : i32
    %sign3A_2 = arith.extui %sign3A_1 : i1 to i32
    %sign3A_3 = arith.constant 0 : i32
    %sign3A_4 = arith.cmpi slt, %arg1, %sign3A_3 : i32
    %sign3A_5 = arith.extui %sign3A_4 : i1 to i32
    %sign3A_6 = arith.subi %sign3A_2, %sign3A_5 : i32
    %sign3A_7 = arith.constant 0 : i32
    %sign3A_8 = arith.cmpi sgt, %jit3A, %sign3A_7 : i32
    %sign3A_9 = arith.extui %sign3A_8 : i1 to i32
    %sign3A_10 = arith.constant 0 : i32
    %sign3A_11 = arith.cmpi slt, %jit3A, %sign3A_10 : i32
    %sign3A_12 = arith.extui %sign3A_11 : i1 to i32
    %sign3A_13 = arith.subi %sign3A_9, %sign3A_12 : i32
    %ne3A = arith.cmpi ne, %sign3A_6, %sign3A_13 : i32
    %rem3A = arith.remsi %arg1, %jit3A : i32
    %ne3A_14 = arith.constant 0 : i32
    %ne3A_15 = arith.cmpi ne, %rem3A, %ne3A_14 : i32
    %and3A = arith.andi %ne3A, %ne3A_15 : i1
    %sub3A = arith.constant 1 : i32
    %sub3A_16 = arith.subi %div3A, %sub3A : i32
    %select_n3A = arith.select %and3A, %sub3A_16, %div3A : i32
    %add3A = arith.addi %mul3A_0, %select_n3A : i32
    %jit3A_17 = arith.constant 8 : i32
    %eq3A = arith.constant 0 : i32
    %eq3A_18 = arith.cmpi eq, %jit3A_17, %eq3A : i32
    %jit3A_19 = arith.constant 1 : i32
    %select_n3A_20 = arith.select %eq3A_18, %jit3A_19, %jit3A_17 : i32
    %rem3A_21 = arith.remsi %arg1, %select_n3A_20 : i32
    %ne3A_22 = arith.constant 0 : i32
    %ne3A_23 = arith.cmpi ne, %rem3A_21, %ne3A_22 : i32
    %lt3A = arith.constant 0 : i32
    %lt3A_24 = arith.cmpi slt, %rem3A_21, %lt3A : i32
    %lt3A_25 = arith.constant 0 : i32
    %lt3A_26 = arith.cmpi slt, %select_n3A_20, %lt3A_25 : i32
    %ne3A_27 = arith.xori %lt3A_24, %lt3A_26 : i1
    %and3A_28 = arith.andi %ne3A_27, %ne3A_23 : i1
    %add3A_29 = arith.addi %rem3A_21, %select_n3A_20 : i32
    %select_n3A_30 = arith.select %and3A_28, %add3A_29, %rem3A_21 : i32
    %mul3A_31 = arith.constant 8192 : i32
    %mul3A_32 = arith.muli %add3A, %mul3A_31 : i32
    %mul3A_33 = arith.constant 1024 : i32
    %mul3A_34 = arith.muli %select_n3A_30, %mul3A_33 : i32
    %add3A_35 = arith.addi %mul3A_32, %mul3A_34 : i32
    %mul3A_36 = arith.constant 8192 : i32
    %mul3A_37 = arith.muli %add3A, %mul3A_36 : i32
    %jit3A_38 = arith.constant 8 : i32
    %div3A_39 = arith.divsi %arg1, %jit3A_38 : i32
    %sign3A_40 = arith.constant 0 : i32
    %sign3A_41 = arith.cmpi sgt, %arg1, %sign3A_40 : i32
    %sign3A_42 = arith.extui %sign3A_41 : i1 to i32
    %sign3A_43 = arith.constant 0 : i32
    %sign3A_44 = arith.cmpi slt, %arg1, %sign3A_43 : i32
    %sign3A_45 = arith.extui %sign3A_44 : i1 to i32
    %sign3A_46 = arith.subi %sign3A_42, %sign3A_45 : i32
    %sign3A_47 = arith.constant 0 : i32
    %sign3A_48 = arith.cmpi sgt, %jit3A_38, %sign3A_47 : i32
    %sign3A_49 = arith.extui %sign3A_48 : i1 to i32
    %sign3A_50 = arith.constant 0 : i32
    %sign3A_51 = arith.cmpi slt, %jit3A_38, %sign3A_50 : i32
    %sign3A_52 = arith.extui %sign3A_51 : i1 to i32
    %sign3A_53 = arith.subi %sign3A_49, %sign3A_52 : i32
    %ne3A_54 = arith.cmpi ne, %sign3A_46, %sign3A_53 : i32
    %rem3A_55 = arith.remsi %arg1, %jit3A_38 : i32
    %ne3A_56 = arith.constant 0 : i32
    %ne3A_57 = arith.cmpi ne, %rem3A_55, %ne3A_56 : i32
    %and3A_58 = arith.andi %ne3A_54, %ne3A_57 : i1
    %sub3A_59 = arith.constant 1 : i32
    %sub3A_60 = arith.subi %div3A_39, %sub3A_59 : i32
    %select_n3A_61 = arith.select %and3A_58, %sub3A_60, %div3A_39 : i32
    %mul3A_62 = arith.constant 128 : i32
    %mul3A_63 = arith.muli %select_n3A_61, %mul3A_62 : i32
    %iota3A = tpu.iota {dimensions = array<i32: 0>} : vector<16xi32>
    "tpu.region"() ({
      %run_scoped3A = tpu.sem_alloc : memref<!tpu.dma_semaphore, #tpu.memory_space<semaphore_mem>>
      %dma_start3A = tpu.memref_slice %arg2[%add3A_35] : memref<32768xf32, #tpu.memory_space<hbm>> -> memref<1024xf32, #tpu.memory_space<hbm>>
      %dma_start3A_147 = tpu.memref_slice %arg2[%add3A_35] : memref<32768xf32, #tpu.memory_space<hbm>> -> memref<1024xf32, #tpu.memory_space<hbm>>
      tpu.enqueue_dma source(%dma_start3A_147 : memref<1024xf32, #tpu.memory_space<hbm>>) target(%arg7 : memref<1024xf32, #tpu.memory_space<vmem>>) target_semaphore(%run_scoped3A : memref<!tpu.dma_semaphore, #tpu.memory_space<semaphore_mem>>)
      %dma_wait3A = tpu.memref_slice %arg2[%add3A_35] : memref<32768xf32, #tpu.memory_space<hbm>> -> memref<1024xf32, #tpu.memory_space<hbm>>
      %dma_wait3A_148 = tpu.memref_slice %arg2[%add3A_35] : memref<32768xf32, #tpu.memory_space<hbm>> -> memref<1024xf32, #tpu.memory_space<hbm>>
      tpu.wait_dma2 semaphore(%run_scoped3A : memref<!tpu.dma_semaphore, #tpu.memory_space<semaphore_mem>>) src(%dma_wait3A_148 : memref<1024xf32, #tpu.memory_space<hbm>>) dst(%arg7 : memref<1024xf32, #tpu.memory_space<vmem>>)
      tpu.yield
    }) : () -> ()
    "tpu.region"() ({
      %run_scoped3A = tpu.sem_alloc : memref<!tpu.dma_semaphore, #tpu.memory_space<semaphore_mem>>
      %dma_start3A = tpu.memref_slice %arg3[%add3A_35] : memref<32768xf32, #tpu.memory_space<hbm>> -> memref<1024xf32, #tpu.memory_space<hbm>>
      %dma_start3A_147 = tpu.memref_slice %arg3[%add3A_35] : memref<32768xf32, #tpu.memory_space<hbm>> -> memref<1024xf32, #tpu.memory_space<hbm>>
      tpu.enqueue_dma source(%dma_start3A_147 : memref<1024xf32, #tpu.memory_space<hbm>>) target(%arg8 : memref<1024xf32, #tpu.memory_space<vmem>>) target_semaphore(%run_scoped3A : memref<!tpu.dma_semaphore, #tpu.memory_space<semaphore_mem>>)
      %dma_wait3A = tpu.memref_slice %arg3[%add3A_35] : memref<32768xf32, #tpu.memory_space<hbm>> -> memref<1024xf32, #tpu.memory_space<hbm>>
      %dma_wait3A_148 = tpu.memref_slice %arg3[%add3A_35] : memref<32768xf32, #tpu.memory_space<hbm>> -> memref<1024xf32, #tpu.memory_space<hbm>>
      tpu.wait_dma2 semaphore(%run_scoped3A : memref<!tpu.dma_semaphore, #tpu.memory_space<semaphore_mem>>) src(%dma_wait3A_148 : memref<1024xf32, #tpu.memory_space<hbm>>) dst(%arg8 : memref<1024xf32, #tpu.memory_space<vmem>>)
      tpu.yield
    }) : () -> ()
    "tpu.region"() ({
      %run_scoped3A = tpu.sem_alloc : memref<!tpu.dma_semaphore, #tpu.memory_space<semaphore_mem>>
      %dma_start3A = tpu.memref_slice %arg4[%add3A_35] : memref<32768xf32, #tpu.memory_space<hbm>> -> memref<1024xf32, #tpu.memory_space<hbm>>
      %dma_start3A_147 = tpu.memref_slice %arg4[%add3A_35] : memref<32768xf32, #tpu.memory_space<hbm>> -> memref<1024xf32, #tpu.memory_space<hbm>>
      tpu.enqueue_dma source(%dma_start3A_147 : memref<1024xf32, #tpu.memory_space<hbm>>) target(%arg9 : memref<1024xf32, #tpu.memory_space<vmem>>) target_semaphore(%run_scoped3A : memref<!tpu.dma_semaphore, #tpu.memory_space<semaphore_mem>>)
      %dma_wait3A = tpu.memref_slice %arg4[%add3A_35] : memref<32768xf32, #tpu.memory_space<hbm>> -> memref<1024xf32, #tpu.memory_space<hbm>>
      %dma_wait3A_148 = tpu.memref_slice %arg4[%add3A_35] : memref<32768xf32, #tpu.memory_space<hbm>> -> memref<1024xf32, #tpu.memory_space<hbm>>
      tpu.wait_dma2 semaphore(%run_scoped3A : memref<!tpu.dma_semaphore, #tpu.memory_space<semaphore_mem>>) src(%dma_wait3A_148 : memref<1024xf32, #tpu.memory_space<hbm>>) dst(%arg9 : memref<1024xf32, #tpu.memory_space<vmem>>)
      tpu.yield
    }) : () -> ()
    %broadcast_in_dim3A = arith.constant 1.000000e+10 : f32
    %broadcast_in_dim3A_64 = vector.broadcast %broadcast_in_dim3A : f32 to vector<16xf32>
    %scan3A = arith.constant 0 : i32
    %scan3A_65 = arith.constant 0 : i32
    %scan3A_66 = arith.constant 64 : i32
    %scan3A_67 = arith.addi %scan3A_65, %scan3A_66 : i32
    %scan3A_68 = arith.constant 1 : i32
    %scan3A_69 = scf.for %scan3A_147 = %scan3A_65 to %scan3A_67 step %scan3A_68 iter_args(%scan3A_148 = %scan3A) -> (i32)  : i32 {
      %mul3A_149 = arith.constant 16 : i32
      %mul3A_150 = arith.muli %scan3A_147, %mul3A_149 : i32
      %swap3A = arith.index_cast %mul3A_150 : i32 to index
      %swap3A_151 = tpu.vector_load %arg10[%swap3A] {strides = array<i32>} : memref<1024xf32, #tpu.memory_space<vmem>>, vector<16xf32>,
      tpu.vector_store %arg10[%swap3A], %broadcast_in_dim3A_64 {strides = array<i32>} : memref<1024xf32, #tpu.memory_space<vmem>>, vector<16xf32>,
      %scan3A_152 = arith.constant 0 : i32
      scf.yield %scan3A_152 : i32
    }
    %scan3A_70 = arith.constant 64 : i32
    "tpu.region"() ({
      %run_scoped3A = tpu.sem_alloc : memref<!tpu.dma_semaphore, #tpu.memory_space<semaphore_mem>>
      %dma_start3A = tpu.memref_slice %arg2[%mul3A_37] : memref<32768xf32, #tpu.memory_space<hbm>> -> memref<16xf32, #tpu.memory_space<hbm>>
      %dma_start3A_147 = tpu.memref_slice %arg2[%mul3A_37] : memref<32768xf32, #tpu.memory_space<hbm>> -> memref<16xf32, #tpu.memory_space<hbm>>
      tpu.enqueue_dma source(%dma_start3A_147 : memref<16xf32, #tpu.memory_space<hbm>>) target(%arg13 : memref<16xf32, #tpu.memory_space<vmem>>) target_semaphore(%run_scoped3A : memref<!tpu.dma_semaphore, #tpu.memory_space<semaphore_mem>>)
      %dma_wait3A = tpu.memref_slice %arg2[%mul3A_37] : memref<32768xf32, #tpu.memory_space<hbm>> -> memref<16xf32, #tpu.memory_space<hbm>>
      %dma_wait3A_148 = tpu.memref_slice %arg2[%mul3A_37] : memref<32768xf32, #tpu.memory_space<hbm>> -> memref<16xf32, #tpu.memory_space<hbm>>
      tpu.wait_dma2 semaphore(%run_scoped3A : memref<!tpu.dma_semaphore, #tpu.memory_space<semaphore_mem>>) src(%dma_wait3A_148 : memref<16xf32, #tpu.memory_space<hbm>>) dst(%arg13 : memref<16xf32, #tpu.memory_space<vmem>>)
      tpu.yield
    }) : () -> ()
    %get3A = arith.constant 0 : index
    %get3A_71 = tpu.vector_load %arg13[%get3A] {strides = array<i32>} : memref<16xf32, #tpu.memory_space<vmem>>, vector<16xf32>,
    %eq3A_72 = arith.constant 0 : i32
    %eq3A_73 = vector.broadcast %eq3A_72 : i32 to vector<16xi32>
    %eq3A_74 = arith.cmpi eq, %iota3A, %eq3A_73 : vector<16xi32>
    %jit3A_75 = arith.constant 0.000000e+00 : f32
    %broadcast_in_dim3A_76 = vector.broadcast %jit3A_75 : f32 to vector<16xf32>
    %select_n3A_77 = arith.select %eq3A_74, %get3A_71, %broadcast_in_dim3A_76 : vector<16xi1>, vector<16xf32>
    %reduce_sum3A = arith.constant true
    %reduce_sum3A_78 = vector.broadcast %reduce_sum3A : i1 to vector<16xi1>
    %reduce_sum3A_79 = tpu.scan <sum>, %select_n3A_77 masked %reduce_sum3A_78 : vector<16xf32>, vector<16xi1> -> vector<16xf32>
    %reduce_sum3A_80 = vector.extract %reduce_sum3A_79[15] : f32 from vector<16xf32>
    %broadcast_in_dim3A_81 = vector.broadcast %reduce_sum3A_80 : f32 to vector<16xf32>
    "tpu.region"() ({
      %run_scoped3A = tpu.sem_alloc : memref<!tpu.dma_semaphore, #tpu.memory_space<semaphore_mem>>
      %dma_start3A = tpu.memref_slice %arg3[%mul3A_37] : memref<32768xf32, #tpu.memory_space<hbm>> -> memref<16xf32, #tpu.memory_space<hbm>>
      %dma_start3A_147 = tpu.memref_slice %arg3[%mul3A_37] : memref<32768xf32, #tpu.memory_space<hbm>> -> memref<16xf32, #tpu.memory_space<hbm>>
      tpu.enqueue_dma source(%dma_start3A_147 : memref<16xf32, #tpu.memory_space<hbm>>) target(%arg13 : memref<16xf32, #tpu.memory_space<vmem>>) target_semaphore(%run_scoped3A : memref<!tpu.dma_semaphore, #tpu.memory_space<semaphore_mem>>)
      %dma_wait3A = tpu.memref_slice %arg3[%mul3A_37] : memref<32768xf32, #tpu.memory_space<hbm>> -> memref<16xf32, #tpu.memory_space<hbm>>
      %dma_wait3A_148 = tpu.memref_slice %arg3[%mul3A_37] : memref<32768xf32, #tpu.memory_space<hbm>> -> memref<16xf32, #tpu.memory_space<hbm>>
      tpu.wait_dma2 semaphore(%run_scoped3A : memref<!tpu.dma_semaphore, #tpu.memory_space<semaphore_mem>>) src(%dma_wait3A_148 : memref<16xf32, #tpu.memory_space<hbm>>) dst(%arg13 : memref<16xf32, #tpu.memory_space<vmem>>)
      tpu.yield
    }) : () -> ()
    %get3A_82 = arith.constant 0 : index
    %get3A_83 = tpu.vector_load %arg13[%get3A_82] {strides = array<i32>} : memref<16xf32, #tpu.memory_space<vmem>>, vector<16xf32>,
    %eq3A_84 = arith.constant 0 : i32
    %eq3A_85 = vector.broadcast %eq3A_84 : i32 to vector<16xi32>
    %eq3A_86 = arith.cmpi eq, %iota3A, %eq3A_85 : vector<16xi32>
    %jit3A_87 = arith.constant 0.000000e+00 : f32
    %broadcast_in_dim3A_88 = vector.broadcast %jit3A_87 : f32 to vector<16xf32>
    %select_n3A_89 = arith.select %eq3A_86, %get3A_83, %broadcast_in_dim3A_88 : vector<16xi1>, vector<16xf32>
    %reduce_sum3A_90 = arith.constant true
    %reduce_sum3A_91 = vector.broadcast %reduce_sum3A_90 : i1 to vector<16xi1>
    %reduce_sum3A_92 = tpu.scan <sum>, %select_n3A_89 masked %reduce_sum3A_91 : vector<16xf32>, vector<16xi1> -> vector<16xf32>
    %reduce_sum3A_93 = vector.extract %reduce_sum3A_92[15] : f32 from vector<16xf32>
    %broadcast_in_dim3A_94 = vector.broadcast %reduce_sum3A_93 : f32 to vector<16xf32>
    "tpu.region"() ({
      %run_scoped3A = tpu.sem_alloc : memref<!tpu.dma_semaphore, #tpu.memory_space<semaphore_mem>>
      %dma_start3A = tpu.memref_slice %arg4[%mul3A_37] : memref<32768xf32, #tpu.memory_space<hbm>> -> memref<16xf32, #tpu.memory_space<hbm>>
      %dma_start3A_147 = tpu.memref_slice %arg4[%mul3A_37] : memref<32768xf32, #tpu.memory_space<hbm>> -> memref<16xf32, #tpu.memory_space<hbm>>
      tpu.enqueue_dma source(%dma_start3A_147 : memref<16xf32, #tpu.memory_space<hbm>>) target(%arg13 : memref<16xf32, #tpu.memory_space<vmem>>) target_semaphore(%run_scoped3A : memref<!tpu.dma_semaphore, #tpu.memory_space<semaphore_mem>>)
      %dma_wait3A = tpu.memref_slice %arg4[%mul3A_37] : memref<32768xf32, #tpu.memory_space<hbm>> -> memref<16xf32, #tpu.memory_space<hbm>>
      %dma_wait3A_148 = tpu.memref_slice %arg4[%mul3A_37] : memref<32768xf32, #tpu.memory_space<hbm>> -> memref<16xf32, #tpu.memory_space<hbm>>
      tpu.wait_dma2 semaphore(%run_scoped3A : memref<!tpu.dma_semaphore, #tpu.memory_space<semaphore_mem>>) src(%dma_wait3A_148 : memref<16xf32, #tpu.memory_space<hbm>>) dst(%arg13 : memref<16xf32, #tpu.memory_space<vmem>>)
      tpu.yield
    }) : () -> ()
    %get3A_95 = arith.constant 0 : index
    %get3A_96 = tpu.vector_load %arg13[%get3A_95] {strides = array<i32>} : memref<16xf32, #tpu.memory_space<vmem>>, vector<16xf32>,
    %eq3A_97 = arith.constant 0 : i32
    %eq3A_98 = vector.broadcast %eq3A_97 : i32 to vector<16xi32>
    %eq3A_99 = arith.cmpi eq, %iota3A, %eq3A_98 : vector<16xi32>
    %jit3A_100 = arith.constant 0.000000e+00 : f32
    %broadcast_in_dim3A_101 = vector.broadcast %jit3A_100 : f32 to vector<16xf32>
    %select_n3A_102 = arith.select %eq3A_99, %get3A_96, %broadcast_in_dim3A_101 : vector<16xi1>, vector<16xf32>
    %reduce_sum3A_103 = arith.constant true
    %reduce_sum3A_104 = vector.broadcast %reduce_sum3A_103 : i1 to vector<16xi1>
    %reduce_sum3A_105 = tpu.scan <sum>, %select_n3A_102 masked %reduce_sum3A_104 : vector<16xf32>, vector<16xi1> -> vector<16xf32>
    %reduce_sum3A_106 = vector.extract %reduce_sum3A_105[15] : f32 from vector<16xf32>
    %broadcast_in_dim3A_107 = vector.broadcast %reduce_sum3A_106 : f32 to vector<16xf32>
    %broadcast_in_dim3A_108 = vector.broadcast %mul3A_37 : i32 to vector<16xi32>
    %add3A_109 = arith.constant -2 : i32
    %add3A_110 = vector.broadcast %add3A_109 : i32 to vector<16xi32>
    %add3A_111 = arith.addi %iota3A, %add3A_110 : vector<16xi32>
    %jit3A_112 = arith.constant 0 : i32
    %jit3A_113 = arith.constant 6143 : i32
    %max3A = vector.broadcast %jit3A_112 : i32 to vector<16xi32>
    %max3A_114 = arith.maxsi %max3A, %add3A_111 : vector<16xi32>
    %min3A = vector.broadcast %jit3A_113 : i32 to vector<16xi32>
    %min3A_115 = arith.minsi %min3A, %max3A_114 : vector<16xi32>
    %eq3A_116 = arith.constant 2 : i32
    %eq3A_117 = vector.broadcast %eq3A_116 : i32 to vector<16xi32>
    %eq3A_118 = arith.cmpi eq, %iota3A, %eq3A_117 : vector<16xi32>
    %eq3A_119 = arith.constant 3 : i32
    %eq3A_120 = vector.broadcast %eq3A_119 : i32 to vector<16xi32>
    %eq3A_121 = arith.cmpi eq, %iota3A, %eq3A_120 : vector<16xi32>
    %select_n3A_122 = arith.select %eq3A_121, %broadcast_in_dim3A_94, %broadcast_in_dim3A_107 : vector<16xi1>, vector<16xf32>
    %select_n3A_123 = arith.select %eq3A_118, %broadcast_in_dim3A_81, %select_n3A_122 : vector<16xi1>, vector<16xf32>
    %ge3A = arith.constant 2 : i32
    %ge3A_124 = vector.broadcast %ge3A : i32 to vector<16xi32>
    %ge3A_125 = arith.cmpi sge, %iota3A, %ge3A_124 : vector<16xi32>
    %le3A = arith.constant 4 : i32
    %le3A_126 = vector.broadcast %le3A : i32 to vector<16xi32>
    %le3A_127 = arith.cmpi sle, %iota3A, %le3A_126 : vector<16xi32>
    %and3A_128 = arith.andi %ge3A_125, %le3A_127 : vector<16xi1>
    tpu.vector_store_idx %arg14[%min3A_115], %select_n3A_123 masked %and3A_128 : memref<6144xf32, #tpu.memory_space<vmem>>[vector<16xi32>], vector<16xf32>, vector<16xi1>
    %broadcast_in_dim3A_129 = arith.constant 0 : i32
    %broadcast_in_dim3A_130 = vector.broadcast %broadcast_in_dim3A_129 : i32 to vector<16xi32>
    %eq3A_131 = arith.constant 0 : i32
    %eq3A_132 = vector.broadcast %eq3A_131 : i32 to vector<16xi32>
    %eq3A_133 = arith.cmpi eq, %iota3A, %eq3A_132 : vector<16xi32>
    tpu.vector_store_idx %arg15[%broadcast_in_dim3A_130], %broadcast_in_dim3A_108 masked %eq3A_133 : memref<2048xi32, #tpu.memory_space<vmem>>[vector<16xi32>], vector<16xi32>, vector<16xi1>
    %broadcast_in_dim3A_134 = arith.constant 1073741824 : i32
    %broadcast_in_dim3A_135 = vector.broadcast %broadcast_in_dim3A_134 : i32 to vector<16xi32>
    %broadcast_in_dim3A_136 = arith.constant -1.000000e+00 : f32
    %broadcast_in_dim3A_137 = vector.broadcast %broadcast_in_dim3A_136 : f32 to vector<16xf32>
    %scan3A_138 = arith.constant 1 : i32
    %scan3A_139 = arith.constant 2047 : i32
    %scan3A_140 = arith.addi %scan3A_138, %scan3A_139 : i32
    %scan3A_141 = arith.constant 1 : i32
    %scan3A_142:3 = scf.for %scan3A_147 = %scan3A_138 to %scan3A_140 step %scan3A_141 iter_args(%scan3A_148 = %broadcast_in_dim3A_81, %scan3A_149 = %broadcast_in_dim3A_94, %scan3A_150 = %broadcast_in_dim3A_107) -> (vector<16xf32>, vector<16xf32>, vector<16xf32>)  : i32 {
      %broadcast_in_dim3A_151 = arith.constant 0 : i32
      %broadcast_in_dim3A_152 = vector.broadcast %broadcast_in_dim3A_151 : i32 to vector<16xi32>
      %broadcast_in_dim3A_153 = arith.constant 0 : i32
      %broadcast_in_dim3A_154 = vector.broadcast %broadcast_in_dim3A_153 : i32 to vector<16xi32>
      %broadcast_in_dim3A_155 = arith.constant 0 : i32
      %broadcast_in_dim3A_156 = vector.broadcast %broadcast_in_dim3A_155 : i32 to vector<16xi32>
      %broadcast_in_dim3A_157 = arith.constant 0 : i32
      %broadcast_in_dim3A_158 = vector.broadcast %broadcast_in_dim3A_157 : i32 to vector<16xi32>
      %parallel_loop3A = arith.constant 0 : i32
      %parallel_loop3A_159 = arith.constant 16 : i32
      %parallel_loop3A_160 = arith.constant 1 : i32
      %parallel_loop3A_161:8 = scf.for %parallel_loop3A_344 = %parallel_loop3A to %parallel_loop3A_159 step %parallel_loop3A_160 iter_args(%parallel_loop3A_345 = %broadcast_in_dim3A_137, %parallel_loop3A_346 = %broadcast_in_dim3A_152, %parallel_loop3A_347 = %broadcast_in_dim3A_137, %parallel_loop3A_348 = %broadcast_in_dim3A_154, %parallel_loop3A_349 = %broadcast_in_dim3A_137, %parallel_loop3A_350 = %broadcast_in_dim3A_156, %parallel_loop3A_351 = %broadcast_in_dim3A_137, %parallel_loop3A_352 = %broadcast_in_dim3A_158) -> (vector<16xf32>, vector<16xi32>, vector<16xf32>, vector<16xi32>, vector<16xf32>, vector<16xi32>, vector<16xf32>, vector<16xi32>)  : i32 {
        %parallel_loop3A_353 = arith.constant 4 : i32
        %parallel_loop3A_354 = arith.muli %parallel_loop3A_344, %parallel_loop3A_353 : i32
        %parallel_loop3A_355 = arith.constant 0 : i32
        %parallel_loop3A_356 = arith.addi %parallel_loop3A_354, %parallel_loop3A_355 : i32
        %parallel_loop3A_357 = arith.constant 16 : i32
        %parallel_loop3A_358 = arith.muli %parallel_loop3A_356, %parallel_loop3A_357 : i32
        %parallel_loop3A_359 = arith.index_cast %parallel_loop3A_358 : i32 to index
        %parallel_loop3A_360 = tpu.vector_load %arg7[%parallel_loop3A_359] {strides = array<i32>} : memref<1024xf32, #tpu.memory_space<vmem>>, vector<16xf32>,
        %parallel_loop3A_361 = arith.subf %parallel_loop3A_360, %scan3A_148 : vector<16xf32>
        %parallel_loop3A_362 = arith.index_cast %parallel_loop3A_358 : i32 to index
        %parallel_loop3A_363 = tpu.vector_load %arg8[%parallel_loop3A_362] {strides = array<i32>} : memref<1024xf32, #tpu.memory_space<vmem>>, vector<16xf32>,
        %parallel_loop3A_364 = arith.subf %parallel_loop3A_363, %scan3A_149 : vector<16xf32>
        %parallel_loop3A_365 = arith.index_cast %parallel_loop3A_358 : i32 to index
        %parallel_loop3A_366 = tpu.vector_load %arg9[%parallel_loop3A_365] {strides = array<i32>} : memref<1024xf32, #tpu.memory_space<vmem>>, vector<16xf32>,
        %parallel_loop3A_367 = arith.subf %parallel_loop3A_366, %scan3A_150 : vector<16xf32>
        %parallel_loop3A_368 = arith.mulf %parallel_loop3A_361, %parallel_loop3A_361 : vector<16xf32>
        %parallel_loop3A_369 = arith.mulf %parallel_loop3A_367, %parallel_loop3A_367 : vector<16xf32>
        %parallel_loop3A_370 = arith.addf %parallel_loop3A_368, %parallel_loop3A_369 : vector<16xf32>
        %parallel_loop3A_371 = arith.mulf %parallel_loop3A_364, %parallel_loop3A_364 : vector<16xf32>
        %parallel_loop3A_372 = arith.addf %parallel_loop3A_370, %parallel_loop3A_371 : vector<16xf32>
        %parallel_loop3A_373 = arith.index_cast %parallel_loop3A_358 : i32 to index
        %parallel_loop3A_374 = tpu.vector_load %arg10[%parallel_loop3A_373] {strides = array<i32>} : memref<1024xf32, #tpu.memory_space<vmem>>, vector<16xf32>,
        %parallel_loop3A_375 = arith.minimumf %parallel_loop3A_374, %parallel_loop3A_372 : vector<16xf32>
        %parallel_loop3A_376 = arith.index_cast %parallel_loop3A_358 : i32 to index
        %parallel_loop3A_377 = tpu.vector_load %arg10[%parallel_loop3A_376] {strides = array<i32>} : memref<1024xf32, #tpu.memory_space<vmem>>, vector<16xf32>,
        tpu.vector_store %arg10[%parallel_loop3A_376], %parallel_loop3A_375 {strides = array<i32>} : memref<1024xf32, #tpu.memory_space<vmem>>, vector<16xf32>,
        %parallel_loop3A_378 = arith.cmpf ogt, %parallel_loop3A_375, %parallel_loop3A_345 : vector<16xf32>
        %parallel_loop3A_379 = arith.select %parallel_loop3A_378, %parallel_loop3A_375, %parallel_loop3A_345 : vector<16xi1>, vector<16xf32>
        %parallel_loop3A_380 = vector.broadcast %parallel_loop3A_356 : i32 to vector<16xi32>
        %parallel_loop3A_381 = arith.select %parallel_loop3A_378, %parallel_loop3A_380, %parallel_loop3A_346 : vector<16xi1>, vector<16xi32>
        %parallel_loop3A_382 = arith.constant 4 : i32
        %parallel_loop3A_383 = arith.muli %parallel_loop3A_344, %parallel_loop3A_382 : i32
        %parallel_loop3A_384 = arith.constant 1 : i32
        %parallel_loop3A_385 = arith.addi %parallel_loop3A_383, %parallel_loop3A_384 : i32
        %parallel_loop3A_386 = arith.constant 16 : i32
        %parallel_loop3A_387 = arith.muli %parallel_loop3A_385, %parallel_loop3A_386 : i32
        %parallel_loop3A_388 = arith.index_cast %parallel_loop3A_387 : i32 to index
        %parallel_loop3A_389 = tpu.vector_load %arg7[%parallel_loop3A_388] {strides = array<i32>} : memref<1024xf32, #tpu.memory_space<vmem>>, vector<16xf32>,
        %parallel_loop3A_390 = arith.subf %parallel_loop3A_389, %scan3A_148 : vector<16xf32>
        %parallel_loop3A_391 = arith.index_cast %parallel_loop3A_387 : i32 to index
        %parallel_loop3A_392 = tpu.vector_load %arg8[%parallel_loop3A_391] {strides = array<i32>} : memref<1024xf32, #tpu.memory_space<vmem>>, vector<16xf32>,
        %parallel_loop3A_393 = arith.subf %parallel_loop3A_392, %scan3A_149 : vector<16xf32>
        %parallel_loop3A_394 = arith.index_cast %parallel_loop3A_387 : i32 to index
        %parallel_loop3A_395 = tpu.vector_load %arg9[%parallel_loop3A_394] {strides = array<i32>} : memref<1024xf32, #tpu.memory_space<vmem>>, vector<16xf32>,
        %parallel_loop3A_396 = arith.subf %parallel_loop3A_395, %scan3A_150 : vector<16xf32>
        %parallel_loop3A_397 = arith.mulf %parallel_loop3A_390, %parallel_loop3A_390 : vector<16xf32>
        %parallel_loop3A_398 = arith.mulf %parallel_loop3A_396, %parallel_loop3A_396 : vector<16xf32>
        %parallel_loop3A_399 = arith.addf %parallel_loop3A_397, %parallel_loop3A_398 : vector<16xf32>
        %parallel_loop3A_400 = arith.mulf %parallel_loop3A_393, %parallel_loop3A_393 : vector<16xf32>
        %parallel_loop3A_401 = arith.addf %parallel_loop3A_399, %parallel_loop3A_400 : vector<16xf32>
        %parallel_loop3A_402 = arith.index_cast %parallel_loop3A_387 : i32 to index
        %parallel_loop3A_403 = tpu.vector_load %arg10[%parallel_loop3A_402] {strides = array<i32>} : memref<1024xf32, #tpu.memory_space<vmem>>, vector<16xf32>,
        %parallel_loop3A_404 = arith.minimumf %parallel_loop3A_403, %parallel_loop3A_401 : vector<16xf32>
        %parallel_loop3A_405 = arith.index_cast %parallel_loop3A_387 : i32 to index
        %parallel_loop3A_406 = tpu.vector_load %arg10[%parallel_loop3A_405] {strides = array<i32>} : memref<1024xf32, #tpu.memory_space<vmem>>, vector<16xf32>,
        tpu.vector_store %arg10[%parallel_loop3A_405], %parallel_loop3A_404 {strides = array<i32>} : memref<1024xf32, #tpu.memory_space<vmem>>, vector<16xf32>,
        %parallel_loop3A_407 = arith.cmpf ogt, %parallel_loop3A_404, %parallel_loop3A_347 : vector<16xf32>
        %parallel_loop3A_408 = arith.select %parallel_loop3A_407, %parallel_loop3A_404, %parallel_loop3A_347 : vector<16xi1>, vector<16xf32>
        %parallel_loop3A_409 = vector.broadcast %parallel_loop3A_385 : i32 to vector<16xi32>
        %parallel_loop3A_410 = arith.select %parallel_loop3A_407, %parallel_loop3A_409, %parallel_loop3A_348 : vector<16xi1>, vector<16xi32>
        %parallel_loop3A_411 = arith.constant 4 : i32
        %parallel_loop3A_412 = arith.muli %parallel_loop3A_344, %parallel_loop3A_411 : i32
        %parallel_loop3A_413 = arith.constant 2 : i32
        %parallel_loop3A_414 = arith.addi %parallel_loop3A_412, %parallel_loop3A_413 : i32
        %parallel_loop3A_415 = arith.constant 16 : i32
        %parallel_loop3A_416 = arith.muli %parallel_loop3A_414, %parallel_loop3A_415 : i32
        %parallel_loop3A_417 = arith.index_cast %parallel_loop3A_416 : i32 to index
        %parallel_loop3A_418 = tpu.vector_load %arg7[%parallel_loop3A_417] {strides = array<i32>} : memref<1024xf32, #tpu.memory_space<vmem>>, vector<16xf32>,
        %parallel_loop3A_419 = arith.subf %parallel_loop3A_418, %scan3A_148 : vector<16xf32>
        %parallel_loop3A_420 = arith.index_cast %parallel_loop3A_416 : i32 to index
        %parallel_loop3A_421 = tpu.vector_load %arg8[%parallel_loop3A_420] {strides = array<i32>} : memref<1024xf32, #tpu.memory_space<vmem>>, vector<16xf32>,
        %parallel_loop3A_422 = arith.subf %parallel_loop3A_421, %scan3A_149 : vector<16xf32>
        %parallel_loop3A_423 = arith.index_cast %parallel_loop3A_416 : i32 to index
        %parallel_loop3A_424 = tpu.vector_load %arg9[%parallel_loop3A_423] {strides = array<i32>} : memref<1024xf32, #tpu.memory_space<vmem>>, vector<16xf32>,
        %parallel_loop3A_425 = arith.subf %parallel_loop3A_424, %scan3A_150 : vector<16xf32>
        %parallel_loop3A_426 = arith.mulf %parallel_loop3A_419, %parallel_loop3A_419 : vector<16xf32>
        %parallel_loop3A_427 = arith.mulf %parallel_loop3A_425, %parallel_loop3A_425 : vector<16xf32>
        %parallel_loop3A_428 = arith.addf %parallel_loop3A_426, %parallel_loop3A_427 : vector<16xf32>
        %parallel_loop3A_429 = arith.mulf %parallel_loop3A_422, %parallel_loop3A_422 : vector<16xf32>
        %parallel_loop3A_430 = arith.addf %parallel_loop3A_428, %parallel_loop3A_429 : vector<16xf32>
        %parallel_loop3A_431 = arith.index_cast %parallel_loop3A_416 : i32 to index
        %parallel_loop3A_432 = tpu.vector_load %arg10[%parallel_loop3A_431] {strides = array<i32>} : memref<1024xf32, #tpu.memory_space<vmem>>, vector<16xf32>,
        %parallel_loop3A_433 = arith.minimumf %parallel_loop3A_432, %parallel_loop3A_430 : vector<16xf32>
        %parallel_loop3A_434 = arith.index_cast %parallel_loop3A_416 : i32 to index
        %parallel_loop3A_435 = tpu.vector_load %arg10[%parallel_loop3A_434] {strides = array<i32>} : memref<1024xf32, #tpu.memory_space<vmem>>, vector<16xf32>,
        tpu.vector_store %arg10[%parallel_loop3A_434], %parallel_loop3A_433 {strides = array<i32>} : memref<1024xf32, #tpu.memory_space<vmem>>, vector<16xf32>,
        %parallel_loop3A_436 = arith.cmpf ogt, %parallel_loop3A_433, %parallel_loop3A_349 : vector<16xf32>
        %parallel_loop3A_437 = arith.select %parallel_loop3A_436, %parallel_loop3A_433, %parallel_loop3A_349 : vector<16xi1>, vector<16xf32>
        %parallel_loop3A_438 = vector.broadcast %parallel_loop3A_414 : i32 to vector<16xi32>
        %parallel_loop3A_439 = arith.select %parallel_loop3A_436, %parallel_loop3A_438, %parallel_loop3A_350 : vector<16xi1>, vector<16xi32>
        %parallel_loop3A_440 = arith.constant 4 : i32
        %parallel_loop3A_441 = arith.muli %parallel_loop3A_344, %parallel_loop3A_440 : i32
        %parallel_loop3A_442 = arith.constant 3 : i32
        %parallel_loop3A_443 = arith.addi %parallel_loop3A_441, %parallel_loop3A_442 : i32
        %parallel_loop3A_444 = arith.constant 16 : i32
        %parallel_loop3A_445 = arith.muli %parallel_loop3A_443, %parallel_loop3A_444 : i32
        %parallel_loop3A_446 = arith.index_cast %parallel_loop3A_445 : i32 to index
        %parallel_loop3A_447 = tpu.vector_load %arg7[%parallel_loop3A_446] {strides = array<i32>} : memref<1024xf32, #tpu.memory_space<vmem>>, vector<16xf32>,
        %parallel_loop3A_448 = arith.subf %parallel_loop3A_447, %scan3A_148 : vector<16xf32>
        %parallel_loop3A_449 = arith.index_cast %parallel_loop3A_445 : i32 to index
        %parallel_loop3A_450 = tpu.vector_load %arg8[%parallel_loop3A_449] {strides = array<i32>} : memref<1024xf32, #tpu.memory_space<vmem>>, vector<16xf32>,
        %parallel_loop3A_451 = arith.subf %parallel_loop3A_450, %scan3A_149 : vector<16xf32>
        %parallel_loop3A_452 = arith.index_cast %parallel_loop3A_445 : i32 to index
        %parallel_loop3A_453 = tpu.vector_load %arg9[%parallel_loop3A_452] {strides = array<i32>} : memref<1024xf32, #tpu.memory_space<vmem>>, vector<16xf32>,
        %parallel_loop3A_454 = arith.subf %parallel_loop3A_453, %scan3A_150 : vector<16xf32>
        %parallel_loop3A_455 = arith.mulf %parallel_loop3A_448, %parallel_loop3A_448 : vector<16xf32>
        %parallel_loop3A_456 = arith.mulf %parallel_loop3A_454, %parallel_loop3A_454 : vector<16xf32>
        %parallel_loop3A_457 = arith.addf %parallel_loop3A_455, %parallel_loop3A_456 : vector<16xf32>
        %parallel_loop3A_458 = arith.mulf %parallel_loop3A_451, %parallel_loop3A_451 : vector<16xf32>
        %parallel_loop3A_459 = arith.addf %parallel_loop3A_457, %parallel_loop3A_458 : vector<16xf32>
        %parallel_loop3A_460 = arith.index_cast %parallel_loop3A_445 : i32 to index
        %parallel_loop3A_461 = tpu.vector_load %arg10[%parallel_loop3A_460] {strides = array<i32>} : memref<1024xf32, #tpu.memory_space<vmem>>, vector<16xf32>,
        %parallel_loop3A_462 = arith.minimumf %parallel_loop3A_461, %parallel_loop3A_459 : vector<16xf32>
        %parallel_loop3A_463 = arith.index_cast %parallel_loop3A_445 : i32 to index
        %parallel_loop3A_464 = tpu.vector_load %arg10[%parallel_loop3A_463] {strides = array<i32>} : memref<1024xf32, #tpu.memory_space<vmem>>, vector<16xf32>,
        tpu.vector_store %arg10[%parallel_loop3A_463], %parallel_loop3A_462 {strides = array<i32>} : memref<1024xf32, #tpu.memory_space<vmem>>, vector<16xf32>,
        %parallel_loop3A_465 = arith.cmpf ogt, %parallel_loop3A_462, %parallel_loop3A_351 : vector<16xf32>
        %parallel_loop3A_466 = arith.select %parallel_loop3A_465, %parallel_loop3A_462, %parallel_loop3A_351 : vector<16xi1>, vector<16xf32>
        %parallel_loop3A_467 = vector.broadcast %parallel_loop3A_443 : i32 to vector<16xi32>
        %parallel_loop3A_468 = arith.select %parallel_loop3A_465, %parallel_loop3A_467, %parallel_loop3A_352 : vector<16xi1>, vector<16xi32>
        scf.yield %parallel_loop3A_379, %parallel_loop3A_381, %parallel_loop3A_408, %parallel_loop3A_410, %parallel_loop3A_437, %parallel_loop3A_439, %parallel_loop3A_466, %parallel_loop3A_468 : vector<16xf32>, vector<16xi32>, vector<16xf32>, vector<16xi32>, vector<16xf32>, vector<16xi32>, vector<16xf32>, vector<16xi32>
      } {sc.loop_unroll_factor = 2 : i64, sc.parallel_access}
      %mul3A_162 = arith.constant 16 : i32
      %mul3A_163 = vector.broadcast %mul3A_162 : i32 to vector<16xi32>
      %mul3A_164 = arith.muli %parallel_loop3A_161#1, %mul3A_163 : vector<16xi32>
      %add3A_165 = arith.addi %mul3A_164, %iota3A : vector<16xi32>
      %mul3A_166 = arith.constant 16 : i32
      %mul3A_167 = vector.broadcast %mul3A_166 : i32 to vector<16xi32>
      %mul3A_168 = arith.muli %parallel_loop3A_161#3, %mul3A_167 : vector<16xi32>
      %add3A_169 = arith.addi %mul3A_168, %iota3A : vector<16xi32>
      %gt3A = arith.cmpf ogt, %parallel_loop3A_161#2, %parallel_loop3A_161#0 : vector<16xf32>
      %eq3A_170 = arith.cmpf oeq, %parallel_loop3A_161#2, %parallel_loop3A_161#0 : vector<16xf32>
      %lt3A_171 = arith.cmpi slt, %add3A_169, %add3A_165 : vector<16xi32>
      %and3A_172 = arith.andi %eq3A_170, %lt3A_171 : vector<16xi1>
      %or3A = arith.ori %gt3A, %and3A_172 : vector<16xi1>
      %select_n3A_173 = arith.select %or3A, %parallel_loop3A_161#2, %parallel_loop3A_161#0 : vector<16xi1>, vector<16xf32>
      %select_n3A_174 = arith.select %or3A, %add3A_169, %add3A_165 : vector<16xi1>, vector<16xi32>
      %mul3A_175 = arith.constant 16 : i32
      %mul3A_176 = vector.broadcast %mul3A_175 : i32 to vector<16xi32>
      %mul3A_177 = arith.muli %parallel_loop3A_161#5, %mul3A_176 : vector<16xi32>
      %add3A_178 = arith.addi %mul3A_177, %iota3A : vector<16xi32>
      %gt3A_179 = arith.cmpf ogt, %parallel_loop3A_161#4, %select_n3A_173 : vector<16xf32>
      %eq3A_180 = arith.cmpf oeq, %parallel_loop3A_161#4, %select_n3A_173 : vector<16xf32>
      %lt3A_181 = arith.cmpi slt, %add3A_178, %select_n3A_174 : vector<16xi32>
      %and3A_182 = arith.andi %eq3A_180, %lt3A_181 : vector<16xi1>
      %or3A_183 = arith.ori %gt3A_179, %and3A_182 : vector<16xi1>
      %select_n3A_184 = arith.select %or3A_183, %parallel_loop3A_161#4, %select_n3A_173 : vector<16xi1>, vector<16xf32>
      %select_n3A_185 = arith.select %or3A_183, %add3A_178, %select_n3A_174 : vector<16xi1>, vector<16xi32>
      %mul3A_186 = arith.constant 16 : i32
      %mul3A_187 = vector.broadcast %mul3A_186 : i32 to vector<16xi32>
      %mul3A_188 = arith.muli %parallel_loop3A_161#7, %mul3A_187 : vector<16xi32>
      %add3A_189 = arith.addi %mul3A_188, %iota3A : vector<16xi32>
      %gt3A_190 = arith.cmpf ogt, %parallel_loop3A_161#6, %select_n3A_184 : vector<16xf32>
      %eq3A_191 = arith.cmpf oeq, %parallel_loop3A_161#6, %select_n3A_184 : vector<16xf32>
      %lt3A_192 = arith.cmpi slt, %add3A_189, %select_n3A_185 : vector<16xi32>
      %and3A_193 = arith.andi %eq3A_191, %lt3A_192 : vector<16xi1>
      %or3A_194 = arith.ori %gt3A_190, %and3A_193 : vector<16xi1>
      %select_n3A_195 = arith.select %or3A_194, %parallel_loop3A_161#6, %select_n3A_184 : vector<16xi1>, vector<16xf32>
      %select_n3A_196 = arith.select %or3A_194, %add3A_189, %select_n3A_185 : vector<16xi1>, vector<16xi32>
      %reduce_max3A = arith.constant true
      %reduce_max3A_197 = vector.broadcast %reduce_max3A : i1 to vector<16xi1>
      %reduce_max3A_198 = tpu.scan <max>, %select_n3A_195 masked %reduce_max3A_197 : vector<16xf32>, vector<16xi1> -> vector<16xf32>
      %reduce_max3A_199 = vector.extract %reduce_max3A_198[15] : f32 from vector<16xf32>
      %broadcast_in_dim3A_200 = vector.broadcast %reduce_max3A_199 : f32 to vector<16xf32>
      %eq3A_201 = arith.cmpf oeq, %select_n3A_195, %broadcast_in_dim3A_200 : vector<16xf32>
      %select_n3A_202 = arith.select %eq3A_201, %select_n3A_196, %broadcast_in_dim3A_135 : vector<16xi1>, vector<16xi32>
      %reduce_min3A = arith.constant true
      %reduce_min3A_203 = vector.broadcast %reduce_min3A : i1 to vector<16xi1>
      %reduce_min3A_204 = arith.constant -2147483648 : i32
      %reduce_min3A_205 = vector.broadcast %reduce_min3A_204 : i32 to vector<16xi32>
      %reduce_min3A_206 = arith.xori %select_n3A_202, %reduce_min3A_205 : vector<16xi32>
      %reduce_min3A_207 = tpu.scan <min>, %reduce_min3A_206 masked %reduce_min3A_203 : vector<16xi32>, vector<16xi1> -> vector<16xi32>
      %reduce_min3A_208 = arith.xori %reduce_min3A_207, %reduce_min3A_205 : vector<16xi32>
      %reduce_min3A_209 = vector.extract %reduce_min3A_208[15] : i32 from vector<16xi32>
      %broadcast_in_dim3A_210 = vector.broadcast %reduce_min3A_209 : i32 to vector<16xi32>
      %gather3A = tpu.vector_load_idx %arg7[%broadcast_in_dim3A_210] : memref<1024xf32, #tpu.memory_space<vmem>>[vector<16xi32>], vector<16xf32>,
      %gather3A_211 = tpu.vector_load_idx %arg8[%broadcast_in_dim3A_210] : memref<1024xf32, #tpu.memory_space<vmem>>[vector<16xi32>], vector<16xf32>,
      %gather3A_212 = tpu.vector_load_idx %arg9[%broadcast_in_dim3A_210] : memref<1024xf32, #tpu.memory_space<vmem>>[vector<16xi32>], vector<16xf32>,
      %add3A_213 = arith.addi %add3A_35, %reduce_min3A_209 : i32
      %broadcast_in_dim3A_214 = vector.broadcast %add3A_213 : i32 to vector<16xi32>
      %convert_element_type3A_215 = arith.sitofp %broadcast_in_dim3A_214 : vector<16xi32> to vector<16xf32>
      %eq3A_216 = arith.constant 0 : i32
      %eq3A_217 = vector.broadcast %eq3A_216 : i32 to vector<16xi32>
      %eq3A_218 = arith.cmpi eq, %iota3A, %eq3A_217 : vector<16xi32>
      %eq3A_219 = arith.constant 1 : i32
      %eq3A_220 = vector.broadcast %eq3A_219 : i32 to vector<16xi32>
      %eq3A_221 = arith.cmpi eq, %iota3A, %eq3A_220 : vector<16xi32>
      %eq3A_222 = arith.constant 2 : i32
      %eq3A_223 = vector.broadcast %eq3A_222 : i32 to vector<16xi32>
      %eq3A_224 = arith.cmpi eq, %iota3A, %eq3A_223 : vector<16xi32>
      %eq3A_225 = arith.constant 3 : i32
      %eq3A_226 = vector.broadcast %eq3A_225 : i32 to vector<16xi32>
      %eq3A_227 = arith.cmpi eq, %iota3A, %eq3A_226 : vector<16xi32>
      %select_n3A_228 = arith.select %eq3A_227, %gather3A_211, %gather3A_212 : vector<16xi1>, vector<16xf32>
      %select_n3A_229 = arith.select %eq3A_224, %gather3A, %select_n3A_228 : vector<16xi1>, vector<16xf32>
      %select_n3A_230 = arith.select %eq3A_221, %convert_element_type3A_215, %select_n3A_229 : vector<16xi1>, vector<16xf32>
      %select_n3A_231 = arith.select %eq3A_218, %broadcast_in_dim3A_200, %select_n3A_230 : vector<16xi1>, vector<16xf32>
      %swap3A = arith.constant 0 : index
      %swap3A_232 = tpu.vector_load %arg11[%swap3A] {strides = array<i32>} : memref<16xf32, #tpu.memory_space<vmem>>, vector<16xf32>,
      tpu.vector_store %arg11[%swap3A], %select_n3A_231 {strides = array<i32>} : memref<16xf32, #tpu.memory_space<vmem>>, vector<16xf32>,
      %jit3A_233 = arith.constant 2 : i32
      %eq3A_234 = arith.constant 0 : i32
      %eq3A_235 = arith.cmpi eq, %jit3A_233, %eq3A_234 : i32
      %jit3A_236 = arith.constant 1 : i32
      %select_n3A_237 = arith.select %eq3A_235, %jit3A_236, %jit3A_233 : i32
      %rem3A_238 = arith.remsi %scan3A_147, %select_n3A_237 : i32
      %ne3A_239 = arith.constant 0 : i32
      %ne3A_240 = arith.cmpi ne, %rem3A_238, %ne3A_239 : i32
      %lt3A_241 = arith.constant 0 : i32
      %lt3A_242 = arith.cmpi slt, %rem3A_238, %lt3A_241 : i32
      %lt3A_243 = arith.constant 0 : i32
      %lt3A_244 = arith.cmpi slt, %select_n3A_237, %lt3A_243 : i32
      %ne3A_245 = arith.xori %lt3A_242, %lt3A_244 : i1
      %and3A_246 = arith.andi %ne3A_245, %ne3A_240 : i1
      %add3A_247 = arith.addi %rem3A_238, %select_n3A_237 : i32
      %select_n3A_248 = arith.select %and3A_246, %add3A_247, %rem3A_238 : i32
      %mul3A_249 = arith.constant 256 : i32
      %mul3A_250 = arith.muli %select_n3A_248, %mul3A_249 : i32
      %mul3A_251 = arith.constant 16 : i32
      %mul3A_252 = arith.muli %arg1, %mul3A_251 : i32
      %add3A_253 = arith.addi %mul3A_250, %mul3A_252 : i32
      "tpu.region"() ({
        %run_scoped3A = tpu.sem_alloc : memref<!tpu.dma_semaphore, #tpu.memory_space<semaphore_mem>>
        %dma_start3A = tpu.memref_slice %arg16[%add3A_253] : memref<512xf32, #tpu.memory_space<vmem_shared>> -> memref<16xf32, #tpu.memory_space<vmem_shared>>
        %dma_start3A_344 = tpu.memref_slice %arg16[%add3A_253] : memref<512xf32, #tpu.memory_space<vmem_shared>> -> memref<16xf32, #tpu.memory_space<vmem_shared>>
        tpu.enqueue_dma source(%arg11 : memref<16xf32, #tpu.memory_space<vmem>>) target(%dma_start3A_344 : memref<16xf32, #tpu.memory_space<vmem_shared>>) target_semaphore(%run_scoped3A : memref<!tpu.dma_semaphore, #tpu.memory_space<semaphore_mem>>)
        %dma_wait3A = tpu.memref_slice %arg16[%add3A_253] : memref<512xf32, #tpu.memory_space<vmem_shared>> -> memref<16xf32, #tpu.memory_space<vmem_shared>>
        %dma_wait3A_345 = tpu.memref_slice %arg16[%add3A_253] : memref<512xf32, #tpu.memory_space<vmem_shared>> -> memref<16xf32, #tpu.memory_space<vmem_shared>>
        tpu.wait_dma2 semaphore(%run_scoped3A : memref<!tpu.dma_semaphore, #tpu.memory_space<semaphore_mem>>) src(%arg11 : memref<16xf32, #tpu.memory_space<vmem>>) dst(%dma_wait3A_345 : memref<16xf32, #tpu.memory_space<vmem_shared>>)
        tpu.yield
      }) : () -> ()
      %barrier3A = arith.constant 0 : index
      tpu.barrier barrier_id(%barrier3A)
      %add3A_254 = arith.addi %mul3A_250, %mul3A_63 : i32
      "tpu.region"() ({
        %run_scoped3A = tpu.sem_alloc : memref<!tpu.dma_semaphore, #tpu.memory_space<semaphore_mem>>
        %dma_start3A = tpu.memref_slice %arg16[%add3A_254] : memref<512xf32, #tpu.memory_space<vmem_shared>> -> memref<128xf32, #tpu.memory_space<vmem_shared>>
        %dma_start3A_344 = tpu.memref_slice %arg16[%add3A_254] : memref<512xf32, #tpu.memory_space<vmem_shared>> -> memref<128xf32, #tpu.memory_space<vmem_shared>>
        tpu.enqueue_dma source(%dma_start3A_344 : memref<128xf32, #tpu.memory_space<vmem_shared>>) target(%arg12 : memref<128xf32, #tpu.memory_space<vmem>>) target_semaphore(%run_scoped3A : memref<!tpu.dma_semaphore, #tpu.memory_space<semaphore_mem>>)
        %dma_wait3A = tpu.memref_slice %arg16[%add3A_254] : memref<512xf32, #tpu.memory_space<vmem_shared>> -> memref<128xf32, #tpu.memory_space<vmem_shared>>
        %dma_wait3A_345 = tpu.memref_slice %arg16[%add3A_254] : memref<512xf32, #tpu.memory_space<vmem_shared>> -> memref<128xf32, #tpu.memory_space<vmem_shared>>
        tpu.wait_dma2 semaphore(%run_scoped3A : memref<!tpu.dma_semaphore, #tpu.memory_space<semaphore_mem>>) src(%dma_wait3A_345 : memref<128xf32, #tpu.memory_space<vmem_shared>>) dst(%arg12 : memref<128xf32, #tpu.memory_space<vmem>>)
        tpu.yield
      }) : () -> ()
      %min3A_255 = arith.constant 7 : i32
      %min3A_256 = vector.broadcast %min3A_255 : i32 to vector<16xi32>
      %min3A_257 = arith.minsi %iota3A, %min3A_256 : vector<16xi32>
      %mul3A_258 = arith.constant 16 : i32
      %mul3A_259 = vector.broadcast %mul3A_258 : i32 to vector<16xi32>
      %mul3A_260 = arith.muli %min3A_257, %mul3A_259 : vector<16xi32>
      %gather3A_261 = tpu.vector_load_idx %arg12[%mul3A_260] : memref<128xf32, #tpu.memory_space<vmem>>[vector<16xi32>], vector<16xf32>,
      %add3A_262 = arith.constant 1 : i32
      %add3A_263 = vector.broadcast %add3A_262 : i32 to vector<16xi32>
      %add3A_264 = arith.addi %mul3A_260, %add3A_263 : vector<16xi32>
      %gather3A_265 = tpu.vector_load_idx %arg12[%add3A_264] : memref<128xf32, #tpu.memory_space<vmem>>[vector<16xi32>], vector<16xf32>,
      %lt3A_266 = arith.constant 8 : i32
      %lt3A_267 = vector.broadcast %lt3A_266 : i32 to vector<16xi32>
      %lt3A_268 = arith.cmpi slt, %iota3A, %lt3A_267 : vector<16xi32>
      %select_n3A_269 = arith.select %lt3A_268, %gather3A_261, %broadcast_in_dim3A_137 : vector<16xi1>, vector<16xf32>
      %reduce_max3A_270 = arith.constant true
      %reduce_max3A_271 = vector.broadcast %reduce_max3A_270 : i1 to vector<16xi1>
      %reduce_max3A_272 = tpu.scan <max>, %select_n3A_269 masked %reduce_max3A_271 : vector<16xf32>, vector<16xi1> -> vector<16xf32>
      %reduce_max3A_273 = vector.extract %reduce_max3A_272[15] : f32 from vector<16xf32>
      %broadcast_in_dim3A_274 = vector.broadcast %reduce_max3A_273 : f32 to vector<16xf32>
      %eq3A_275 = arith.cmpf oeq, %select_n3A_269, %broadcast_in_dim3A_274 : vector<16xf32>
      %convert_element_type3A_276 = arith.fptosi %gather3A_265 : vector<16xf32> to vector<16xi32>
      %select_n3A_277 = arith.select %eq3A_275, %convert_element_type3A_276, %broadcast_in_dim3A_135 : vector<16xi1>, vector<16xi32>
      %reduce_min3A_278 = arith.constant true
      %reduce_min3A_279 = vector.broadcast %reduce_min3A_278 : i1 to vector<16xi1>
      %reduce_min3A_280 = arith.constant -2147483648 : i32
      %reduce_min3A_281 = vector.broadcast %reduce_min3A_280 : i32 to vector<16xi32>
      %reduce_min3A_282 = arith.xori %select_n3A_277, %reduce_min3A_281 : vector<16xi32>
      %reduce_min3A_283 = tpu.scan <min>, %reduce_min3A_282 masked %reduce_min3A_279 : vector<16xi32>, vector<16xi1> -> vector<16xi32>
      %reduce_min3A_284 = arith.xori %reduce_min3A_283, %reduce_min3A_281 : vector<16xi32>
      %reduce_min3A_285 = vector.extract %reduce_min3A_284[15] : i32 from vector<16xi32>
      %broadcast_in_dim3A_286 = vector.broadcast %reduce_min3A_285 : i32 to vector<16xi32>
      %eq3A_287 = arith.cmpi eq, %convert_element_type3A_276, %broadcast_in_dim3A_286 : vector<16xi32>
      %and3A_288 = arith.andi %eq3A_275, %eq3A_287 : vector<16xi1>
      %select_n3A_289 = arith.select %and3A_288, %iota3A, %broadcast_in_dim3A_135 : vector<16xi1>, vector<16xi32>
      %reduce_min3A_290 = arith.constant true
      %reduce_min3A_291 = vector.broadcast %reduce_min3A_290 : i1 to vector<16xi1>
      %reduce_min3A_292 = arith.constant -2147483648 : i32
      %reduce_min3A_293 = vector.broadcast %reduce_min3A_292 : i32 to vector<16xi32>
      %reduce_min3A_294 = arith.xori %select_n3A_289, %reduce_min3A_293 : vector<16xi32>
      %reduce_min3A_295 = tpu.scan <min>, %reduce_min3A_294 masked %reduce_min3A_291 : vector<16xi32>, vector<16xi1> -> vector<16xi32>
      %reduce_min3A_296 = arith.xori %reduce_min3A_295, %reduce_min3A_293 : vector<16xi32>
      %reduce_min3A_297 = vector.extract %reduce_min3A_296[15] : i32 from vector<16xi32>
      %mul3A_298 = arith.constant 16 : i32
      %mul3A_299 = arith.muli %reduce_min3A_297, %mul3A_298 : i32
      %broadcast_in_dim3A_300 = vector.broadcast %mul3A_299 : i32 to vector<16xi32>
      %add3A_301 = arith.constant 2 : i32
      %add3A_302 = vector.broadcast %add3A_301 : i32 to vector<16xi32>
      %add3A_303 = arith.addi %broadcast_in_dim3A_300, %add3A_302 : vector<16xi32>
      %gather3A_304 = tpu.vector_load_idx %arg12[%add3A_303] : memref<128xf32, #tpu.memory_space<vmem>>[vector<16xi32>], vector<16xf32>,
      %add3A_305 = arith.constant 3 : i32
      %add3A_306 = vector.broadcast %add3A_305 : i32 to vector<16xi32>
      %add3A_307 = arith.addi %broadcast_in_dim3A_300, %add3A_306 : vector<16xi32>
      %gather3A_308 = tpu.vector_load_idx %arg12[%add3A_307] : memref<128xf32, #tpu.memory_space<vmem>>[vector<16xi32>], vector<16xf32>,
      %add3A_309 = arith.constant 4 : i32
      %add3A_310 = vector.broadcast %add3A_309 : i32 to vector<16xi32>
      %add3A_311 = arith.addi %broadcast_in_dim3A_300, %add3A_310 : vector<16xi32>
      %gather3A_312 = tpu.vector_load_idx %arg12[%add3A_311] : memref<128xf32, #tpu.memory_space<vmem>>[vector<16xi32>], vector<16xf32>,
      %mul3A_313 = arith.constant 3 : i32
      %mul3A_314 = arith.muli %mul3A_313, %scan3A_147 : i32
      %sub3A_315 = arith.constant 2 : i32
      %sub3A_316 = arith.subi %mul3A_314, %sub3A_315 : i32
      %add3A_317 = vector.broadcast %sub3A_316 : i32 to vector<16xi32>
      %add3A_318 = arith.addi %iota3A, %add3A_317 : vector<16xi32>
      %jit3A_319 = arith.constant 0 : i32
      %jit3A_320 = arith.constant 6143 : i32
      %max3A_321 = vector.broadcast %jit3A_319 : i32 to vector<16xi32>
      %max3A_322 = arith.maxsi %max3A_321, %add3A_318 : vector<16xi32>
      %min3A_323 = vector.broadcast %jit3A_320 : i32 to vector<16xi32>
      %min3A_324 = arith.minsi %min3A_323, %max3A_322 : vector<16xi32>
      %eq3A_325 = arith.constant 2 : i32
      %eq3A_326 = vector.broadcast %eq3A_325 : i32 to vector<16xi32>
      %eq3A_327 = arith.cmpi eq, %iota3A, %eq3A_326 : vector<16xi32>
      %eq3A_328 = arith.constant 3 : i32
      %eq3A_329 = vector.broadcast %eq3A_328 : i32 to vector<16xi32>
      %eq3A_330 = arith.cmpi eq, %iota3A, %eq3A_329 : vector<16xi32>
      %select_n3A_331 = arith.select %eq3A_330, %gather3A_308, %gather3A_312 : vector<16xi1>, vector<16xf32>
      %select_n3A_332 = arith.select %eq3A_327, %gather3A_304, %select_n3A_331 : vector<16xi1>, vector<16xf32>
      %ge3A_333 = arith.constant 2 : i32
      %ge3A_334 = vector.broadcast %ge3A_333 : i32 to vector<16xi32>
      %ge3A_335 = arith.cmpi sge, %iota3A, %ge3A_334 : vector<16xi32>
      %le3A_336 = arith.constant 4 : i32
      %le3A_337 = vector.broadcast %le3A_336 : i32 to vector<16xi32>
      %le3A_338 = arith.cmpi sle, %iota3A, %le3A_337 : vector<16xi32>
      %and3A_339 = arith.andi %ge3A_335, %le3A_338 : vector<16xi1>
      tpu.vector_store_idx %arg14[%min3A_324], %select_n3A_332 masked %and3A_339 : memref<6144xf32, #tpu.memory_space<vmem>>[vector<16xi32>], vector<16xf32>, vector<16xi1>
      %broadcast_in_dim3A_340 = vector.broadcast %scan3A_147 : i32 to vector<16xi32>
      %eq3A_341 = arith.constant 0 : i32
      %eq3A_342 = vector.broadcast %eq3A_341 : i32 to vector<16xi32>
      %eq3A_343 = arith.cmpi eq, %iota3A, %eq3A_342 : vector<16xi32>
      tpu.vector_store_idx %arg15[%broadcast_in_dim3A_340], %broadcast_in_dim3A_286 masked %eq3A_343 : memref<2048xi32, #tpu.memory_space<vmem>>[vector<16xi32>], vector<16xi32>, vector<16xi1>
      scf.yield %gather3A_304, %gather3A_308, %gather3A_312 : vector<16xf32>, vector<16xf32>, vector<16xf32>
    }
    %scan3A_143 = arith.constant 2047 : i32
    %eq3A_144 = arith.constant 0 : i32
    %eq3A_145 = arith.cmpi eq, %select_n3A_30, %eq3A_144 : i32
    %convert_element_type3A = arith.extui %eq3A_145 : i1 to i32
    %cond3A = arith.constant 0 : i32
    %cond3A_146 = arith.cmpi ne, %convert_element_type3A, %cond3A : i32
    scf.if %cond3A_146 {
      %mul3A_147 = arith.constant 6144 : i32
      %mul3A_148 = arith.muli %add3A, %mul3A_147 : i32
      "tpu.region"() ({
        %run_scoped3A = tpu.sem_alloc : memref<!tpu.dma_semaphore, #tpu.memory_space<semaphore_mem>>
        %dma_start3A = tpu.memref_slice %arg5[%mul3A_148] : memref<24576xf32, #tpu.memory_space<hbm>> -> memref<6144xf32, #tpu.memory_space<hbm>>
        %dma_start3A_151 = tpu.memref_slice %arg5[%mul3A_148] : memref<24576xf32, #tpu.memory_space<hbm>> -> memref<6144xf32, #tpu.memory_space<hbm>>
        tpu.enqueue_dma source(%arg14 : memref<6144xf32, #tpu.memory_space<vmem>>) target(%dma_start3A_151 : memref<6144xf32, #tpu.memory_space<hbm>>) target_semaphore(%run_scoped3A : memref<!tpu.dma_semaphore, #tpu.memory_space<semaphore_mem>>)
        %dma_wait3A = tpu.memref_slice %arg5[%mul3A_148] : memref<24576xf32, #tpu.memory_space<hbm>> -> memref<6144xf32, #tpu.memory_space<hbm>>
        %dma_wait3A_152 = tpu.memref_slice %arg5[%mul3A_148] : memref<24576xf32, #tpu.memory_space<hbm>> -> memref<6144xf32, #tpu.memory_space<hbm>>
        tpu.wait_dma2 semaphore(%run_scoped3A : memref<!tpu.dma_semaphore, #tpu.memory_space<semaphore_mem>>) src(%arg14 : memref<6144xf32, #tpu.memory_space<vmem>>) dst(%dma_wait3A_152 : memref<6144xf32, #tpu.memory_space<hbm>>)
        tpu.yield
      }) : () -> ()
      %mul3A_149 = arith.constant 2048 : i32
      %mul3A_150 = arith.muli %add3A, %mul3A_149 : i32
      "tpu.region"() ({
        %run_scoped3A = tpu.sem_alloc : memref<!tpu.dma_semaphore, #tpu.memory_space<semaphore_mem>>
        %dma_start3A = tpu.memref_slice %arg6[%mul3A_150] : memref<8192xi32, #tpu.memory_space<hbm>> -> memref<2048xi32, #tpu.memory_space<hbm>>
        %dma_start3A_151 = tpu.memref_slice %arg6[%mul3A_150] : memref<8192xi32, #tpu.memory_space<hbm>> -> memref<2048xi32, #tpu.memory_space<hbm>>
        tpu.enqueue_dma source(%arg15 : memref<2048xi32, #tpu.memory_space<vmem>>) target(%dma_start3A_151 : memref<2048xi32, #tpu.memory_space<hbm>>) target_semaphore(%run_scoped3A : memref<!tpu.dma_semaphore, #tpu.memory_space<semaphore_mem>>)
        %dma_wait3A = tpu.memref_slice %arg6[%mul3A_150] : memref<8192xi32, #tpu.memory_space<hbm>> -> memref<2048xi32, #tpu.memory_space<hbm>>
        %dma_wait3A_152 = tpu.memref_slice %arg6[%mul3A_150] : memref<8192xi32, #tpu.memory_space<hbm>> -> memref<2048xi32, #tpu.memory_space<hbm>>
        tpu.wait_dma2 semaphore(%run_scoped3A : memref<!tpu.dma_semaphore, #tpu.memory_space<semaphore_mem>>) src(%arg15 : memref<2048xi32, #tpu.memory_space<vmem>>) dst(%dma_wait3A_152 : memref<2048xi32, #tpu.memory_space<hbm>>)
        tpu.yield
      }) : () -> ()
    } else {
    }
    return
  }
}

</mosaic_0001>

<sc_bundles>
// kernel: kernel.3.cloned.1.call-start
scs
__scs_entry_jumppad:
0x0: {  	(pc) =	sbr.rel $0x88, $3  }
0x1: {  	(tag) =	ssettag $0x0;
	lr =	simm.s32 $0x1  }
0x2: {  	[smem:$0x3F9F] =	sst lr;
	_ =	strace $0xD0000000  }
0x3: {  	_ = 	snop  }
0x4: {  	_ = 	snop  }
0x5: {  	_ = 	snop  }
0x6: {  	_ = 	snop  }
0x7: {  	_ = 	snop  }
__scs_overlays_trampoline_lowered:
0x8: {  	[smem:$0x3FAE] =	sst s0  }
0x9: {  	[smem:$0x3FAF] =	sst s1  }
0xa: {  	[smem:$0x3FB0] =	sst s2  }
0xb: {  	[smem:$0x3FB1] =	sst s3  }
0xc: {  	[smem:$0x3FB2] =	sst s4  }
0xd: {  	[smem:$0x3FB3] =	sst s5  }
0xe: {  	[smem:$0x3FB4] =	sst s6  }
0xf: {  	[smem:$0x3FB5] =	sst s7  }
0x10: {  	[smem:$0x3FB6] =	sst s8  }
0x11: {  	[smem:$0x3FB7] =	sst s9;
	s0 =	simm.s32 @!p0 $0x0  }
0x12: {  	s1 =	sld [smem:$0x3F9D];
	s0 =	simm.s32 @p0 $0x1  }
0x13: {  	[smem:$0x3FB8] =	sst s0;
	s0 =	simm.s32 @!p1 $0x0  }
0x14: {  	s2 =	sld [smem:$0x3F9C];
	s0 =	simm.s32 @p1 $0x1  }
0x15: {  	[smem:$0x3FB9] =	sst s0;
	s0 =	simm.s32 @!p2 $0x0  }
0x16: {  	s3 =	sld [smem:$0x3FDB];
	s0 =	simm.s32 @p2 $0x1  }
0x17: {  	s4 =	simm.s32 $0x1BF5;
	[smem:$0x3FBB] =	sst s0  }
0x18: {  	s0 =	sld [smem:$0x3F9E];
	_ =	swait.ge [sflag:s4], $0x0  }
0x19: {  	s7 =	sld [smem:$0x3F9F]  }
0x1a: {  	s8 =	sadd.s32 $0xFFFFE003, lr  }
0x1b: {  	s9 =	sadd.s32 $0xFFFFFEF7, lr;
	s5 =	simm.s32 $0xFFFFFFFF;
	p2 =	slt.u32 s8, $0xFFFFF086  }
0x1c: {  	p1 =	slt.u32 s9, $0xF7A;
	s5 =	simm.s32 @!p2 $0x0  }
0x1d: {  	s5 =	simm.s32 @p1 $0x1;
	p0 =	seq.s32 s7, s2  }
0x1e: {  	s7 =	smul.u32 @!p0 $0xF7A, s2;
	p2 =	seq.s32 @!p0 s5, $0x0  }
0x1f: {  	s9 =	smul.u32 $0xF7A, s1;
	s8 =	simm.s32 @!p0 $0x1BF5;
	p2 =	por !p2, p0  }
0x20: {  	[sflag:s8] =	ssyncset.s32 @!p0 $0xFFFFF086;
	s6 =	sadd.s32 @!p0 s3, s7;
	s7 =	simm.s32 @!p0 $0x108  }
0x21: {  	s3 =	sadd.s32 s3, s9;
	s6 =	sadd.s32 @!p0 $0x88, s6;
	s7 =	simm.s32 @p2 $0x1082  }
0x22: {  	[simem:s7], [sflag:s8] =	dma.local @!p0 [hbm:s6], $0xF7A  }
0x23: {  	s9 =	sor.u32 $0xD0000000, s2;
	s6 =	simm.s32 $0x108;
	_ =	swait.ge @!p0 [sflag:s8], $0x0  }
0x24: {  	s3 =	sadd.s32 $0x88, s3;
	s6 =	simm.s32 @!p1 $0x1082;
	[sflag:s4] =	ssyncset.s32 $0xFFFFF086  }
0x25: {  	[simem:s6], [sflag:s4] =	dma.local [hbm:s3], $0xF7A  }
0x26: {  	[smem:$0x3F9F] =	sst s1;
	(tag) =	ssettag s2;
	_ =	strace s9  }
0x27: {  	s1 =	sld [smem:$0x3FAF]  }
0x28: {  	s2 =	sld [smem:$0x3FB0]  }
0x29: {  	s4 =	sld [smem:$0x3FB2]  }
0x2a: {  	p0 =	seq.s32 s5, $0x0;
	s5 =	sld [smem:$0x3FB3]  }
0x2b: {  	s6 =	sld [smem:$0x3FB4]  }
0x2c: {  	s7 =	sld [smem:$0x3FB5]  }
0x2d: {  	s3 =	simm.s32 $0x108;
	s8 =	sld [smem:$0x3FB6]  }
0x2e: {  	s3 =	simm.s32 @!p0 $0x1082;
	s9 =	sld [smem:$0x3FB7]  }
0x2f: {  	lr =	sadd.s32 s0, s3;
	s0 =	sld [smem:$0x3FAE]  }
0x30: {  	s3 =	sld [smem:$0x3FB1]  }
0x31: {  	[smem:$0x3FBA] =	sst s10  }
0x32: {  	s10 =	sld [smem:$0x3FB8];
	_ =	sdelay $0x3  }
0x33: {  	p0 =	seq.s32 s10, $0x1;
	s10 =	sld [smem:$0x3FBA];
	_ =	sdelay $0x3  }
0x34: {  	[smem:$0x3FBA] =	sst s10  }
0x35: {  	s10 =	sld [smem:$0x3FB9];
	_ =	sdelay $0x3  }
0x36: {  	p1 =	seq.s32 s10, $0x1;
	s10 =	sld [smem:$0x3FBA];
	_ =	sdelay $0x3  }
0x37: {  	[smem:$0x3FBA] =	sst s10  }
0x38: {  	s10 =	sld [smem:$0x3FBB]  }
0x39: {  	_ = 	snop;
	(pc) =	sbr.ind lr, $3  }
0x3a: {  	_ = 	snop  }
0x3b: {  	_ = 	snop  }
0x3c: {  	p2 =	seq.s32 s10, $0x1;
	s10 =	sld [smem:$0x3FBA]  }
0x3d: {  	_ =	shalt  }
0x3e: {  	_ =	shalt  }
0x3f: {  	_ =	shalt  }
0x40: {  	_ =	shalt  }
0x41: {  	_ =	shalt  }
0x42: {  	_ =	shalt  }
0x43: {  	_ =	shalt  }
0x44: {  	_ =	shalt  }
0x45: {  	_ =	shalt  }
0x46: {  	_ =	shalt  }
0x47: {  	_ =	shalt  }
0x48: {  	_ =	shalt  }
0x49: {  	_ =	shalt  }
0x4a: {  	_ =	shalt  }
0x4b: {  	_ =	shalt  }
0x4c: {  	_ =	shalt  }
0x4d: {  	_ =	shalt  }
0x4e: {  	_ =	shalt  }
0x4f: {  	_ =	shalt  }
0x50: {  	_ =	shalt  }
0x51: {  	_ =	shalt  }
0x52: {  	_ =	shalt  }
0x53: {  	_ =	shalt  }
0x54: {  	_ =	shalt  }
0x55: {  	_ =	shalt  }
0x56: {  	_ =	shalt  }
0x57: {  	_ =	shalt  }
0x58: {  	_ =	shalt  }
0x59: {  	_ =	shalt  }
0x5a: {  	_ =	shalt  }
0x5b: {  	_ =	shalt  }
0x5c: {  	_ =	shalt  }
0x5d: {  	_ =	shalt  }
0x5e: {  	_ =	shalt  }
0x5f: {  	_ =	shalt  }
0x60: {  	_ =	shalt  }
0x61: {  	_ =	shalt  }
0x62: {  	_ =	shalt  }
0x63: {  	_ =	shalt  }
0x64: {  	_ =	shalt  }
0x65: {  	_ =	shalt  }
0x66: {  	_ =	shalt  }
0x67: {  	_ =	shalt  }
0x68: {  	_ =	shalt  }
0x69: {  	_ =	shalt  }
0x6a: {  	_ =	shalt  }
0x6b: {  	_ =	shalt  }
0x6c: {  	_ =	shalt  }
0x6d: {  	_ =	shalt  }
0x6e: {  	_ =	shalt  }
0x6f: {  	_ =	shalt  }
0x70: {  	_ =	shalt  }
0x71: {  	_ =	shalt  }
0x72: {  	_ =	shalt  }
0x73: {  	_ =	shalt  }
0x74: {  	_ =	shalt  }
0x75: {  	_ =	shalt  }
0x76: {  	_ =	shalt  }
0x77: {  	_ =	shalt  }
0x78: {  	_ =	shalt  }
0x79: {  	_ =	shalt  }
0x7a: {  	_ =	shalt  }
0x7b: {  	_ =	shalt  }
0x7c: {  	_ =	shalt  }
0x7d: {  	_ =	shalt  }
0x7e: {  	_ =	shalt  }
0x7f: {  	_ =	shalt  }
0x80: {  	_ =	shalt  }
0x81: {  	_ =	shalt  }
0x82: {  	_ =	shalt  }
0x83: {  	_ =	shalt  }
0x84: {  	_ =	shalt  }
0x85: {  	_ =	shalt  }
0x86: {  	_ =	shalt  }
0x87: {  	_ =	shalt  }
.Lfunc_end0:
.L_simem_size_0:
called_computation_lowered:
.L_overlay_start_0:
0x88: {  	s2 =	sld [smem:$0x3FD9]  }
0x89: {  	s3 =	sld [smem:$0x3FFE];
	_ =	sdelay $0x1  }
0x8a: {  	s1 =	srdreg.scid  }
0x8b: {  	s0 =	sand.u32 $0x1, s1  }
0x8c: {  	s14 =	sshll.u32 s0, $0xA;
	s2 =	sadd.s32 s3, s2  }
0x8d: {  	s2 =	sadd.s32 s2, s14  }
0x8e: {  	[smem:$0x3FC6] =	sst s2  }
0x8f: {  	_ = 	snop  }
0x90: {  	s2 =	sld [smem:$0x3FD0];
	_ =	sdelay $0x2  }
0x91: {  	s15 =	simm.s32 $0xA;
	s4 =	simm.s32 $0x10  }
0x92: {  	[smem:s4], [sflag:s15] =	dma.local [hbm:s2], $0x1  }
0x93: {  	_ =	swait.eq [sflag:s15], $0x1  }
0x94: {  	[sflag:s15] =	ssyncset.done $0x0  }
0x95: {  	s16 =	sld [smem:$0x10];
	[sflag:s15] =	ssyncadd.s32 $0xFFFFFFFF  }
0x96: {  	s17 =	sld [smem:$0x12];
	(tm) =	ssettm $0x1  }
0x97: {  	s18 =	sld [smem:$0x3FFB];
	_ =	sdelay $0x3  }
0x98: {  	_ =	strace s18  }
0x99: {  	s4 =	sld [smem:$0x3FFC];
	_ =	sdelay $0x3  }
0x9a: {  	_ =	strace s4  }
0x9b: {  	s4 =	sld [smem:$0x3FFD];
	_ =	sdelay $0x3  }
0x9c: {  	_ =	strace s4  }
0x9d: {  	_ =	strace $0x8FFFFFFF  }
0x9e: {  	s19 =	sld [smem:$0x3FDB];
	_ =	sdelay $0x1  }
0x9f: {  	s5 =	simm.s32 $_scs_section_size  }
0xa0: {  	s6 =	simm.s32 $_size__tile_overlayer_lowered;
	s7 =	simm.s32 $_tile_overlayer_lowered  }
0xa1: {  	s22 =	simm.s32 $0x1BFF;
	s21 =	sshll.u32 s7, $0x1;
	s4 =	sadd.s32 s5, s19  }
0xa2: {  	s8 =	simm.s32 $0x0;
	s20 =	sshll.u32 s6, $0x1;
	s6 =	sadd.s32 s21, s4  }
0xa3: {  	[timem:s8], [sflag:s22] =	dma.local [hbm:s6], s20  }
0xa4: {  	_ =	swait.ge [sflag:s22], s20  }
0xa5: {  	s5 =	ssub.s32 $0x0, s20;
	[sflag:s22] =	ssyncset.done $0x0  }
0xa6: {  	[sflag:s22] =	ssyncadd.s32 s5;
	_ =	sdelay $0x1  }
0xa7: {  	s23 =	simm.s32 $0x1B8B  }
0xa8: {  	_ =	swait.ge [sflag:s23], $0x1  }
0xa9: {  	[sflag:s23] =	ssyncset.done $0x0  }
0xaa: {  	s25 =	simm.s32 $0x1B8E;
	s24 =	sld [smem:$0x3FFE];
	[sflag:s23] =	ssyncadd.s32 $0xFFFFFFFF  }
0xab: {  	s26 =	simm.s32 $execute0_lowered;
	[smem:$0x3FD2] =	sst s25  }
0xac: {  	s6 =	sshll.u32 s26, $0x1;
	_ =	strace $0x80000046;
	[dreg:$0x1] =	wrdreg $0xFFFFFFFF  }
0xad: {  	s28 =	simm.s32 $_size_execute0_lowered;
	s4 =	sadd.s32 s4, s6;
	[dreg:$0x0] =	wrdreg $0x0  }
0xae: {  	s6 =	sshll.u32 s28, $0x1;
	[dreg:$0x2] =	wrdreg s4  }
0xaf: {  	[dreg:$0x3] =	wrdreg s6  }
0xb0: {  	[dreg:$0x4] =	wrdreg $0xC0  }
0xb1: {  	_ =	task [dreg:s8], $0x5FFFF  }
0xb2: {  	[dreg:$0x1] =	wrdreg $0xFFFFFFFF  }
0xb3: {  	[dreg:$0x0] =	wrdreg $0x60  }
0xb4: {  	[dreg:$0x2] =	wrdreg s24  }
0xb5: {  	[dreg:$0x3] =	wrdreg s16  }
0xb6: {  	[dreg:$0x4] =	wrdreg s17  }
0xb7: {  	[dreg:$0x5] =	wrdreg $0x31800  }
0xb8: {  	[dreg:$0x6] =	wrdreg $0x9  }
0xb9: {  	_ =	task.clear_ibuf [dreg:s8], $0x7FFFF;
	_ =	strace $0x90000046  }
0xba: {  	s29 =	simm.s32 $0x9;
	_ =	strace $0x80000048  }
0xbb: {  	_ =	swait.ge [sflag:s29], $0x1  }
0xbc: {  	[sflag:s29] =	ssyncadd.s32 $0xFFFFFFFF  }
0xbd: {  	_ =	strace $0x90000048  }
0xbe: {  	_ =	sfence  }
0xbf: {  	s30 =	sld [smem:$0x0];
	_ =	sdelay $0x2  }
0xc0: {  	s31 =	sshll.u32 s1, $0xD;
	s1 =	sshrl.u32 s1, $0x2  }
0xc1: {  	s3 =	sand.u32 $0x4000, s31;
	s1 =	sadd.s32 s1, s30  }
0xc2: {  	s0 =	sor.u32 s3, s0;
	s1 =	sshll.u32 s1, $0x11  }
0xc3: {  	s0 =	sor.u32 s1, s0  }
0xc4: {  	s0 =	sadd.s32 $0x8F2B, s0  }
0xc5: {  	[sflag:s0] =	ssyncadd.remote.s32 $0x1  }
0xc6: {  	_ =	sfence.sel $0xFFFF  }
0xc7: {  	[dreg:$0x0] =	wrdreg $0xFFFFFFFF;
	(pc) =	sbr.abs _section_cstart, $3  }
0xc8: {  	[dreg:$0x1] =	wrdreg $0xFFFFFFFF  }
0xc9: {  	_ =	task.clear_ibuf [dreg:s8], $0x2FFFF;
	_ =	strace $0x9FFFFFFF  }
0xca: {  	(tm) =	ssettm $0x7FFFFFFF  }
0xcb: {  	_ =	shalt  }
tec
execute0_lowered:
.L_overlay_start_1:
0x0: {  	(tag) =	ssettag $0x1  }
0x1: {  	s1 =	rddreg [dreg:$0x0]  }
0x2: {  	s5 =	rddreg [dreg:$0x1]  }
0x3: {  	s6 =	rddreg [dreg:$0x2];
	s0 =	srdreg.scid;
	s3 =	simm.s32 $0x0  }
0x4: {  	s2 =	stileid.u32;
	s15 =	simm.s32 $0x400;
	s16 =	simm.s32 $0x800  }
0x5: {  	s18 =	simm.s32 $0x1180;
	s19 =	simm.s32 $0x2980;
	s4 =	sand.u32 $0x1, s0  }
0x6: {  	[smem:$0x7FF] =	sst s3;
	s7 =	sshrl.u32 s2, $0x3;
	s17 =	sand.u32 $0x7, s2  }
0x7: {  	s9 =	sadd.s32 $0x1600, s1;
	s21 =	sadd.s32 $0x600, s1;
	s29 =	sshll.u32 s2, $0x6  }
0x8: {  	s0 =	sshll.u32 s4, $0x1;
	_ =	strace $0x80000047;
	s13 =	ssub.s32 $0x2, s4  }
0x9: {  	v0 =	vimm.s32 $0xDCBA9876;
	v1 =	vimm.s32 $0x54321000;
	vm0 =	vmmov $0x1;
	s11 =	sshll.u32 s17, $0xA;
	s8 =	sor.u32 s7, s0;
	s22 =	sshrl.u32 s13, $0x1  }
0xa: {  	vm1 =	vcmask $0x710;
	vm2 =	vcmask $0x70C;
	vm3 =	vcmask $0x1308;
	s10 =	sshll.u32 s8, $0xD;
	s12 =	smul.u32 $0x300, s8;
	s26 =	sshll.u32 s8, $0xA  }
0xb: {  	v4 =	vimm.s32 $0x30201000;
	v6 =	vimm.s32 $0x70605040;
	vm7 =	vcmask $0xF00;
	s8 =	sshll.u32 s8, $0x8;
	s4 =	sor.u32 s11, s10;
	s28 =	sadd.s32 s21, s26  }
0xc: {  	vm8 =	vcmask $0x1F10;
	v7 =	vimm.s32 $0x31211101;
	v8 =	vimm.s32 $0x71615141;
	s11 =	ssub.s32 s13, s22;
	s30 =	sadd.s32 s6, s8;
	[dreg:$0x9] =	wrdreg s28  }
0xd: {  	vm4 =	vcmask $0x3F10;
	vm5 =	vcmask $0x3F0C;
	vm6 =	vcmask $0x3F08;
	s14 =	sshrl.u32 s4, $0x3;
	[dreg:$0xc] =	wrdreg s30;
	s31 =	smax.u32 s11, $0x1  }
0xe: {  	v2 =	vunpack.c.l.s4.s8 v0;
	v3 =	vunpack.c.l.s4.s8 v1;
	v1 =	vimm.f32 $1.000000000e+10;
	s2 =	simm.s32 $0x0;
	s23 =	sadd.s32 s9, s14;
	[dreg:$0xd] =	wrdreg s31  }
0xf: {  	v5 =	vunpack.c.0.s8.s32 v4;
	v4 =	vlaneseq.u32;
	v7 =	vunpack.c.0.s8.s32 v7;
	s20 =	sshrl.u32 s29, $0x2;
	s24 =	sadd.s32 s21, s14;
	[dreg:$0x5] =	wrdreg s23  }
0x10: {  	v6 =	vunpack.c.0.s8.s32 v6;
	v8 =	vunpack.c.0.s8.s32 v8;
	p0 =	sne.s32 s17, $0x0;
	v2 =	vunpack.c.0.s8.s32 v2;
	s25 =	sadd.s32 s5, s14;
	[dreg:$0x6] =	wrdreg s24  }
0x11: {  	v3 =	vunpack.c.0.s8.s32 v3;
	s7 =	sshll.u32 s7, $0x9;
	v5 =	vnsel vm7, $0x70, v5;
	v7 =	vnsel vm7, $0x71, v7;
	s9 =	sadd.s32 s9, s26;
	[dreg:$0x7] =	wrdreg s25  }
0x12: {  	vm7 =	vcmask $0x3F04;
	v5 =	vsel vm8, v6, v5;
	v6 =	vor.u32 $0x80000000, v4;
	s1 =	sadd.s32 s12, s1;
	s5 =	sadd.s32 s5, s26;
	[dreg:$0x8] =	wrdreg s9  }
0x13: {  	v7 =	vsel vm8, v8, v7;
	vm8 =	vmmov $0xff;
	v2 =	vand.u32 $0xF, v2;
	s22 =	sshrl.u32 s7, $0x2;
	s1 =	sadd.s32 $0x2600, s1;
	[dreg:$0xa] =	wrdreg s5  }
0x14: {  	v0 =	vmov s10;
	v2 =	vcombine.low v3, v2;
	v3 =	vimm.s32 $0x0;
	s14 =	simm.s32 $0x1;
	[dreg:$0xb] =	wrdreg s1;
	s23 =	simm.s32 $0x1080  }
.LBB2_1:
0x15: {  	s0 =	rddreg [dreg:$0x5]  }
0x16: {  	[tilespmem:s3], [sflag:$0x1] =	stream.linear.gather [hbm4b:s0+s3], $0x400, $0x38;
	[tilespmem:$0x31A0] =	vst v63  }
0x17: {  	_ =	swait.ge [sflag:s14], $0x400  }
0x18: {  	[sflag:s14] =	ssyncset.done $0x0  }
0x19: {  	s30 =	rddreg [dreg:$0x6];
	[sflag:s14] =	ssyncadd.s32 $0xFFFFFC00  }
0x1a: {  	[tilespmem:s15], [sflag:$0x1] =	stream.linear.gather [hbm4b:s30+s3], $0x400, $0x38;
	[tilespmem:$0x31A0] =	vst v63  }
0x1b: {  	_ =	swait.ge [sflag:s14], $0x400  }
0x1c: {  	[sflag:s14] =	ssyncset.done $0x0  }
0x1d: {  	s31 =	rddreg [dreg:$0x7];
	[sflag:s14] =	ssyncadd.s32 $0xFFFFFC00  }
0x1e: {  	[tilespmem:s16], [sflag:$0x1] =	stream.linear.gather [hbm4b:s31+s3], $0x400, $0x38;
	[tilespmem:$0x31A0] =	vst v63  }
0x1f: {  	_ =	swait.ge [sflag:s14], $0x400  }
0x20: {  	[sflag:s14] =	ssyncset.done $0x0  }
0x21: {  	s1 =	simm.s32 $0x0;
	s0 =	simm.s32 $0x40;
	[sflag:s14] =	ssyncadd.s32 $0xFFFFFC00  }
.LBB2_2:
0x22: {  	p1 =	sne.s32 s0, $0xFC0;
	[tilespmem:s1+$0xC00] =	vst v1;
	s1 =	smov.u32 s0;
	s0 =	sadd.s32 $0x40, s0  }
.Ltmp0:
0x23: {  	(pc) =	sbr.rel @p1 .LBB2_2-.Ltmp0, $2  }
0x24: {  	_ =	sdelay $0x2  }
0x25: {  	s1 =	sshra.s32 s1, $0x2  }
0x26: {  	[dreg:$0xe] =	wrdreg s2  }
0x27: {  	[tilespmem:s1+$0xC00] =	vst v1;
	s0 =	rddreg [dreg:$0x8];
	s29 =	simm.s32 $0x1100;
	s25 =	simm.s32 $0x1  }
0x28: {  	[tilespmem:s29], [sflag:$0x1] =	stream.linear.gather [hbm4b:s0+s3], $0x10, $0x38;
	[tilespmem:$0x31A0] =	vst v63  }
0x29: {  	_ =	swait.ge [sflag:s25], $0x10  }
0x2a: {  	[sflag:s25] =	ssyncset.done $0x0  }
0x2b: {  	[sflag:s25] =	ssyncadd.s32 $0xFFFFFFF0  }
0x2c: {  	v8 =	vld [tilespmem:$0x1100];
	_ =	sdelay $0x4  }
0x2d: {  	v8 =	vnsel vm0, $0x0, v8  }
0x2e: {  	(xrf2) =	vadd.scan.msk.f32 $0xffff, v8;
	_ =	sdelay $0x8  }
0x2f: {  	s30 =	rddreg [dreg:$0x9]  }
0x30: {  	[tilespmem:s29], [sflag:$0x1] =	stream.linear.gather [hbm4b:s30+s3], $0x10, $0x38;
	v10, _, _ =	vpop (xrf2);
	[tilespmem:$0x31A0] =	vst v63  }
0x31: {  	_ =	swait.ge [sflag:s25], $0x10  }
0x32: {  	[sflag:s25] =	ssyncset.done $0x0  }
0x33: {  	[sflag:s25] =	ssyncadd.s32 $0xFFFFFFF0  }
0x34: {  	v8 =	vld [tilespmem:$0x1100];
	_ =	sdelay $0x4  }
0x35: {  	v8 =	vnsel vm0, $0x0, v8  }
0x36: {  	(xrf2) =	vadd.scan.msk.f32 $0xffff, v8;
	_ =	sdelay $0x8  }
0x37: {  	s31 =	rddreg [dreg:$0xa]  }
0x38: {  	[tilespmem:s29], [sflag:$0x1] =	stream.linear.gather [hbm4b:s31+s3], $0x10, $0x38;
	v8, _, _ =	vpop (xrf2);
	[tilespmem:$0x31A0] =	vst v63  }
0x39: {  	_ =	swait.ge [sflag:s25], $0x10  }
0x3a: {  	[sflag:s25] =	ssyncset.done $0x0  }
0x3b: {  	[sflag:s25] =	ssyncadd.s32 $0xFFFFFFF0  }
0x3c: {  	v9 =	vld [tilespmem:$0x1100];
	_ =	sdelay $0x4  }
0x3d: {  	v9 =	vnsel vm0, $0x0, v9  }
0x3e: {  	(xrf2) =	vadd.scan.msk.f32 $0xffff, v9;
	_ =	sdelay $0x9  }
0x3f: {  	v9, _, _ =	vpop (xrf2)  }
0x40: {  	v8 =	vbroadcast v8, $0xF;
	v9 =	vbroadcast v9, $0xF  }
0x41: {  	v10 =	vbroadcast v10, $0xF  }
0x42: {  	v11 =	vsel vm1, v9, v8  }
0x43: {  	v11 =	vsel vm2, v11, v10  }
0x44: {  	[tilespmem:v2+s18+$0x0] =	vst.idx.msk vm3, v11  }
0x45: {  	[tilespmem:v3+s19+$0x0] =	vst.idx.msk $0x1, v0  }
.LBB2_4:
0x46: {  	s7 =	simm.s32 $0x840  }
0x47: {  	s6 =	simm.s32 $0x40;
	v11 =	vld [tilespmem:s7+$0xFFFFFFC0]  }
0x48: {  	s5 =	simm.s32 $0x440;
	v12 =	vld [tilespmem:s6+$0xFFFFFFC0]  }
0x49: {  	v13 =	vld [tilespmem:s5+$0xFFFFFFC0]  }
0x4a: {  	v14 =	vld [tilespmem:s7+$0x0]  }
0x4b: {  	v15 =	vld [tilespmem:s6+$0x0];
	_ =	sdelay $0x1  }
0x4c: {  	v16 =	vld [tilespmem:s5+$0x0];
	v11 =	vsub.f32 v11, v9;
	v12 =	vsub.f32 v12, v10;
	_ =	sdelay $0x1  }
0x4d: {  	s26 =	simm.s32 $0xC40;
	v13 =	vsub.f32 v13, v8;
	v11 =	vmul.f32 v11, v11;
	v12 =	vmul.f32 v12, v12  }
0x4e: {  	v17 =	vld [tilespmem:s26+$0xFFFFFFC0];
	v14 =	vsub.f32 v14, v9;
	v15 =	vsub.f32 v15, v10  }
0x4f: {  	v13 =	vmul.f32 v13, v13;
	v11 =	vadd.f32 v11, v12  }
0x50: {  	v15 =	vmul.f32 v15, v15;
	v12 =	vmul.f32 v14, v14;
	v14 =	vsub.f32 v16, v8  }
0x51: {  	v16 =	vld [tilespmem:s26+$0x0];
	v11 =	vadd.f32 v11, v13  }
0x52: {  	s31 =	simm.s32 $0x8C0;
	v12 =	vadd.f32 v12, v15;
	v13 =	vmul.f32 v14, v14  }
0x53: {  	s30 =	simm.s32 $0xC0;
	v18 =	vld [tilespmem:s31+$0xFFFFFFC0];
	v15 =	vmin.f32 v17, v11  }
0x54: {  	v19 =	vld [tilespmem:s30+$0xFFFFFFC0];
	v11 =	vadd.f32 v12, v13;
	[tilespmem:s26+$0xFFFFFFC0] =	vst v15  }
0x55: {  	v13 =	vld [tilespmem:s7+$0xFFFFFFD0]  }
0x56: {  	s29 =	simm.s32 $0x4C0;
	v16 =	vmin.f32 v16, v11;
	v11 =	vld [tilespmem:s6+$0xFFFFFFD0]  }
0x57: {  	v20 =	vld [tilespmem:s29+$0xFFFFFFC0]  }
0x58: {  	v12 =	vld [tilespmem:s5+$0xFFFFFFD0]  }
0x59: {  	v22 =	vld [tilespmem:s31+$0x0]  }
0x5a: {  	v24 =	vld [tilespmem:s30+$0x0];
	v18 =	vsub.f32 v18, v9;
	v19 =	vsub.f32 v19, v10  }
0x5b: {  	v31 =	vld [tilespmem:s26+$0xFFFFFFE0];
	[tilespmem:s26+$0x0] =	vst v16;
	v13 =	vsub.f32 v13, v9;
	v11 =	vsub.f32 v11, v10  }
0x5c: {  	v20 =	vsub.f32 v20, v8;
	v18 =	vmul.f32 v18, v18;
	v19 =	vmul.f32 v19, v19;
	v17 =	vld [tilespmem:s7+$0x10]  }
0x5d: {  	v23 =	vld [tilespmem:s6+$0x10];
	v12 =	vsub.f32 v12, v8;
	v13 =	vmul.f32 v13, v13;
	v11 =	vmul.f32 v11, v11  }
0x5e: {  	v20 =	vmul.f32 v20, v20;
	v14 =	vld [tilespmem:s26+$0xFFFFFFD0]  }
0x5f: {  	v18 =	vadd.f32 v18, v19;
	v21 =	vld [tilespmem:s5+$0x10];
	v12 =	vmul.f32 v12, v12;
	v11 =	vadd.f32 v13, v11  }
0x60: {  	s28 =	simm.s32 $0xCC0;
	v13 =	vld [tilespmem:s29+$0x0]  }
0x61: {  	v18 =	vadd.f32 v18, v20;
	v11 =	vadd.f32 v11, v12;
	v12 =	vld [tilespmem:s28+$0xFFFFFFC0]  }
0x62: {  	v33 =	vld [tilespmem:s26+$0x20];
	v17 =	vsub.f32 v17, v9;
	v19 =	vsub.f32 v23, v10  }
0x63: {  	v34 =	vld [tilespmem:s28+$0x10];
	v14 =	vmin.f32 v14, v11;
	v11 =	vsub.f32 v22, v9;
	v22 =	vsub.f32 v24, v10  }
0x64: {  	v20 =	vld [tilespmem:s28+$0x0];
	v21 =	vsub.f32 v21, v8;
	v17 =	vmul.f32 v17, v17;
	v19 =	vmul.f32 v19, v19  }
0x65: {  	v24 =	vld [tilespmem:s26+$0x10];
	[tilespmem:s26+$0xFFFFFFD0] =	vst v14;
	v13 =	vsub.f32 v13, v8;
	v11 =	vmul.f32 v11, v11;
	v22 =	vmul.f32 v22, v22  }
0x66: {  	v21 =	vmul.f32 v21, v21;
	v25 =	vld [tilespmem:s7+$0xFFFFFFE0];
	v18 =	vmin.f32 v12, v18;
	v12 =	vadd.f32 v17, v19  }
0x67: {  	v17 =	vld [tilespmem:s5+$0xFFFFFFE0];
	v13 =	vmul.f32 v13, v13;
	[tilespmem:s28+$0xFFFFFFC0] =	vst v18;
	v11 =	vadd.f32 v11, v22  }
0x68: {  	v19 =	vld [tilespmem:s29+$0xFFFFFFD0];
	v21 =	vadd.f32 v12, v21;
	v12 =	vimm.f32 $-1.000000000e+00  }
0x69: {  	v22 =	vld [tilespmem:s31+$0xFFFFFFD0];
	v13 =	vadd.f32 v11, v13;
	vm9 =	vgt.f32 v15, v12  }
0x6a: {  	s0 =	simm.s32 $0x0;
	v26 =	vld [tilespmem:s30+$0xFFFFFFD0];
	v11 =	vimm.s32 $0x0;
	vm10 =	vgt.f32 v14, v12;
	v21 =	vmin.f32 v24, v21  }
0x6b: {  	v24 =	vld [tilespmem:s6+$0xFFFFFFE0];
	v15 =	vsel vm9, v15, v12;
	v27 =	vsel vm9, s0, v11;
	v30 =	vsel vm10, v14, v12;
	[tilespmem:s26+$0x10] =	vst v21  }
0x6c: {  	s1 =	simm.s32 $0x1;
	v14 =	vsub.f32 v25, v9;
	v13 =	vmin.f32 v20, v13;
	vm9 =	vgt.f32 v16, v15;
	v20 =	vld [tilespmem:s7+$0x20]  }
0x6d: {  	s13 =	simm.s32 $0x4;
	v29 =	vsel vm10, s1, v11;
	v17 =	vsub.f32 v17, v8;
	v28 =	vld [tilespmem:s6+$0x20];
	v15 =	vsel vm9, v16, v15  }
0x6e: {  	v23 =	vld [tilespmem:s28+$0xFFFFFFD0];
	v16 =	vsel vm9, s13, v27;
	v32 =	vmul.f32 v14, v14;
	vm9 =	vgt.f32 v18, v15  }
0x6f: {  	s10 =	simm.s32 $0x8;
	s1 =	simm.s32 $0x140;
	v25 =	vld [tilespmem:s5+$0x20];
	v15 =	vsel vm9, v18, v15;
	v18 =	vsub.f32 v22, v9;
	v22 =	vsub.f32 v26, v10  }
0x70: {  	v35 =	vld [tilespmem:s1+$0xFFFFFFC0];
	[tilespmem:s28+$0x0] =	vst v13;
	v19 =	vsub.f32 v19, v8;
	v17 =	vmul.f32 v17, v17;
	v16 =	vsel vm9, s10, v16  }
0x71: {  	s0 =	simm.s32 $0x940;
	v27 =	vld [tilespmem:s31+$0x10];
	v24 =	vsub.f32 v24, v10;
	v18 =	vmul.f32 v18, v18;
	v22 =	vmul.f32 v22, v22  }
0x72: {  	s8 =	simm.s32 $0xD40;
	v26 =	vld [tilespmem:s0+$0xFFFFFFC0];
	vm9 =	vgt.f32 v21, v30;
	v20 =	vsub.f32 v20, v9;
	v28 =	vsub.f32 v28, v10  }
0x73: {  	v14 =	vld [tilespmem:s8+$0xFFFFFFD0];
	v19 =	vmul.f32 v19, v19;
	vm11 =	vgt.f32 v13, v15;
	v18 =	vadd.f32 v18, v22  }
0x74: {  	s9 =	simm.s32 $0x540;
	v60 =	vld [tilespmem:s30+$0x10];
	v25 =	vsub.f32 v25, v8;
	v20 =	vmul.f32 v20, v20;
	v28 =	vmul.f32 v28, v28  }
0x75: {  	v21 =	vsel vm9, v21, v30;
	v15 =	vsel vm11, v13, v15;
	v22 =	vld [tilespmem:s9+$0xFFFFFFC0];
	v18 =	vadd.f32 v18, v19  }
0x76: {  	v24 =	vmul.f32 v24, v24;
	v25 =	vmul.f32 v25, v25;
	v19 =	vld [tilespmem:s29+$0x10];
	v20 =	vadd.f32 v20, v28  }
0x77: {  	s17 =	simm.s32 $0xC;
	s11 =	simm.s32 $0x5;
	v27 =	vsub.f32 v27, v9;
	v18 =	vmin.f32 v23, v18;
	v23 =	vsub.f32 v26, v9;
	v26 =	vld [tilespmem:s1+$0x0]  }
0x78: {  	v59 =	vsel vm11, s17, v16;
	v13 =	vsel vm9, s11, v29;
	v20 =	vadd.f32 v20, v25;
	v25 =	vld [tilespmem:s0+$0x0]  }
0x79: {  	v24 =	vadd.f32 v32, v24;
	v27 =	vmul.f32 v27, v27;
	v28 =	vld [tilespmem:s9+$0x0];
	vm10 =	vgt.f32 v18, v21  }
0x7a: {  	s12 =	simm.s32 $0x9;
	v30 =	vld [tilespmem:s8+$0xFFFFFFC0];
	v36 =	vmin.f32 v33, v20;
	v20 =	vmul.f32 v23, v23;
	v23 =	vsub.f32 v35, v10  }
0x7b: {  	v29 =	vld [tilespmem:s8+$0x0];
	v17 =	vadd.f32 v24, v17;
	v22 =	vsub.f32 v22, v8;
	v13 =	vsel vm10, s12, v13;
	[tilespmem:s26+$0x20] =	vst v36  }
0x7c: {  	v16 =	vsel vm10, v18, v21;
	v19 =	vsub.f32 v19, v8;
	v58 =	vld [tilespmem:s5+$0x30];
	v23 =	vmul.f32 v23, v23  }
0x7d: {  	[tilespmem:s28+$0xFFFFFFD0] =	vst v18;
	v22 =	vmul.f32 v22, v22;
	v24 =	vsub.f32 v26, v10;
	v21 =	vld [tilespmem:s7+$0x30];
	v25 =	vsub.f32 v25, v9  }
0x7e: {  	v62 =	vld [tilespmem:s29+$0xFFFFFFE0];
	v19 =	vmul.f32 v19, v19;
	v18 =	vadd.f32 v20, v23;
	v23 =	vsub.f32 v28, v8  }
0x7f: {  	v26 =	vld [tilespmem:s31+$0xFFFFFFE0];
	v24 =	vmul.f32 v24, v24;
	v20 =	vmul.f32 v25, v25;
	v25 =	vmin.f32 v31, v17  }
0x80: {  	v17 =	vld [tilespmem:s6+$0x30];
	[tilespmem:s26+$0xFFFFFFE0] =	vst v25;
	v18 =	vadd.f32 v18, v22;
	v22 =	vsub.f32 v60, v10;
	v23 =	vmul.f32 v23, v23  }
0x81: {  	vm10 =	vgt.f32 v25, v12;
	v28 =	vsub.f32 v58, v8;
	v31 =	vld [tilespmem:s7+$0xFFFFFFF0];
	v20 =	vadd.f32 v20, v24  }
0x82: {  	v61 =	vld [tilespmem:s6+$0xFFFFFFF0];
	v21 =	vsub.f32 v21, v9;
	v18 =	vmin.f32 v30, v18;
	v22 =	vmul.f32 v22, v22  }
0x83: {  	s21 =	simm.s32 $0x2;
	v39 =	vsel vm10, v25, v12;
	v30 =	vld [tilespmem:s5+$0xFFFFFFF0];
	[tilespmem:s8+$0xFFFFFFC0] =	vst v18;
	vm9 =	vgt.f32 v18, v15;
	v20 =	vadd.f32 v20, v23  }
0x84: {  	v23 =	vsel vm10, s21, v11;
	v24 =	vmul.f32 v28, v28;
	v38 =	vld [tilespmem:s9+$0xFFFFFFD0];
	v22 =	vadd.f32 v27, v22  }
0x85: {  	v37 =	vsub.f32 v17, v10;
	v28 =	vld [tilespmem:s0+$0xFFFFFFD0];
	v17 =	vmin.f32 v29, v20;
	v20 =	vsub.f32 v26, v9  }
0x86: {  	v18 =	vsel vm9, v18, v15;
	v15 =	vld [tilespmem:s1+$0xFFFFFFD0];
	v19 =	vadd.f32 v22, v19;
	v22 =	vsub.f32 v31, v9  }
0x87: {  	v29 =	vld [tilespmem:s30+$0xFFFFFFE0];
	v31 =	vmul.f32 v21, v21;
	v32 =	vsub.f32 v61, v10;
	v63 =	vmul.f32 v37, v37  }
0x88: {  	s24 =	simm.s32 $0x10;
	v21 =	vld [tilespmem:s26+$0x30];
	[tilespmem:s8+$0x0] =	vst v17;
	v26 =	vmul.f32 v20, v20;
	v20 =	vsub.f32 v30, v8;
	v25 =	vmin.f32 v34, v19  }
0x89: {  	v30 =	vsub.f32 v62, v8;
	v41 =	vld [tilespmem:s0+$0x10];
	v40 =	vmul.f32 v22, v22;
	v19 =	vsel vm9, s24, v59;
	[tilespmem:s28+$0x10] =	vst v25  }
0x8a: {  	vm9 =	vgt.f32 v36, v39;
	v42 =	vmul.f32 v32, v32;
	v22 =	vsub.f32 v38, v8;
	v34 =	vld [tilespmem:s31+$0x20]  }
0x8b: {  	v31 =	vadd.f32 v31, v63;
	v27 =	vmul.f32 v20, v20;
	v28 =	vsub.f32 v28, v9;
	v35 =	vld [tilespmem:s30+$0x20]  }
0x8c: {  	s13 =	simm.s32 $0x9C0;
	s10 =	simm.s32 $0x540;
	s11 =	simm.s32 $0x7;
	v20 =	vmul.f32 v30, v30;
	v37 =	vld [tilespmem:s29+$0x20];
	v30 =	vmul.f32 v22, v22;
	v22 =	vsub.f32 v15, v10  }
0x8d: {  	s17 =	simm.s32 $0x1C0;
	s12 =	simm.s32 $0x4;
	s7 =	simm.s32 $0xF;
	v32 =	vsub.f32 v29, v10;
	v29 =	vld [tilespmem:s26+$0xFFFFFFF0];
	v33 =	vmul.f32 v28, v28;
	v15 =	vsel vm9, v36, v39  }
0x8e: {  	s6 =	simm.s32 $0x17;
	s5 =	simm.s32 $0xD40;
	s24 =	simm.s32 $0x6;
	v36 =	vadd.f32 v40, v42;
	v28 =	vsub.f32 v41, v9;
	v38 =	vmul.f32 v22, v22;
	v22 =	vld [tilespmem:s28+$0xFFFFFFE0]  }
.LBB2_5:
0x8f: {  	v39 =	vld [tilespmem:s13+$0xFFFFFFC0];
	s12 =	sadd.s32 $0x2, s12;
	s8 =	sadd.s32 $0x80, s8;
	s9 =	sadd.s32 $0x80, s9;
	v34 =	vsub.f32 v34, v9;
	v23 =	vsel vm9, s24, v23;
	v24 =	vadd.f32 v31, v24  }
0x90: {  	v32 =	vmul.f32 v32, v32;
	v31 =	vld [tilespmem:s8+$0xFFFFFFD0];
	p1 =	slt.u32 s12, $0xE;
	v33 =	vadd.f32 v33, v38;
	v35 =	vsub.f32 v35, v10  }
0x91: {  	v36 =	vadd.f32 v36, v27;
	v37 =	vsub.f32 v37, v8;
	v34 =	vmul.f32 v34, v34;
	v38 =	vld [tilespmem:s28+$0x20]  }
0x92: {  	v26 =	vadd.f32 v26, v32;
	v30 =	vadd.f32 v33, v30;
	v27 =	vld [tilespmem:s5+$0x10];
	v32 =	vmul.f32 v35, v35  }
0x93: {  	vm9 =	vgt.f32 v25, v16;
	v29 =	vmin.f32 v29, v36;
	v33 =	vld [tilespmem:s9+$0xFFFFFFC0];
	v35 =	vmul.f32 v37, v37  }
0x94: {  	vm11 =	vgt.f32 v29, v12;
	v36 =	vld [tilespmem:s17+$0xFFFFFFC0];
	v30 =	vmin.f32 v14, v30;
	v37 =	vadd.f32 v34, v32;
	[tilespmem:s26+$0xFFFFFFF0] =	vst v29  }
0x95: {  	v16 =	vsel vm9, v25, v16;
	v21 =	vmin.f32 v21, v24;
	v32 =	vsub.f32 v39, v9;
	[tilespmem:s5+$0xFFFFFFD0] =	vst v30;
	v34 =	vld [tilespmem:s10+$0x10]  }
0x96: {  	s24 =	sadd.s32 $0xFFFFFFFC, s11;
	v12 =	vsel vm11, v29, v12;
	vm10 =	vgt.f32 v30, v16;
	v24 =	vld [tilespmem:s9+$0x0];
	v25 =	vadd.f32 v37, v35;
	[tilespmem:s26+$0x30] =	vst v21;
	s26 =	smov.u32 s28;
	s28 =	smov.u32 s5  }
0x97: {  	vm12 =	vgt.f32 v17, v18;
	v11 =	vsel vm11, s24, v11;
	v14 =	vmovc v31;
	v29 =	vmul.f32 v32, v32;
	s5 =	smov.u32 s8;
	v32 =	vld [tilespmem:s13+$0x0]  }
0x98: {  	vm11 =	vgt.f32 v21, v12;
	v31 =	vsub.f32 v33, v8;
	v33 =	vld [tilespmem:s17+$0x0];
	v38 =	vmin.f32 v38, v25  }
0x99: {  	v18 =	vsel vm12, v17, v18;
	v11 =	vsel vm11, s11, v11;
	s11 =	smov.u32 s7;
	s7 =	smov.u32 s6;
	v25 =	vsub.f32 v36, v10;
	v35 =	vld [tilespmem:s8+$0xFFFFFFC0];
	[tilespmem:s26+$0x20] =	vst v38  }
0x9a: {  	s24 =	sadd.s32 $0xFFFFFFFD, s6;
	v12 =	vsel vm11, v21, v12;
	s2 =	sadd.s32 $0xFFFFFFFE, s11;
	v17 =	vmul.f32 v31, v31;
	v31 =	vsub.f32 v34, v8;
	v34 =	vld [tilespmem:s29+$0x30]  }
0x9b: {  	s21 =	sadd.s32 $0xFFFFFFFA, s6;
	v19 =	vsel vm12, s24, v19;
	v13 =	vsel vm9, s2, v13;
	v21 =	vmul.f32 v25, v25;
	v25 =	vld [tilespmem:s1+$0x10]  }
0x9c: {  	v20 =	vadd.f32 v26, v20;
	v13 =	vsel vm10, s21, v13;
	v32 =	vsub.f32 v32, v9;
	v36 =	vld [tilespmem:s8+$0x0]  }
0x9d: {  	v16 =	vsel vm10, v30, v16;
	v30 =	vmul.f32 v31, v31;
	v26 =	vsub.f32 v33, v10;
	v31 =	vld [tilespmem:s31+$0x30]  }
0x9e: {  	v20 =	vmin.f32 v22, v20;
	v21 =	vadd.f32 v29, v21;
	v29 =	vmul.f32 v32, v32;
	v22 =	vld [tilespmem:s30+$0x30]  }
0x9f: {  	v24 =	vsub.f32 v24, v8;
	v26 =	vmul.f32 v26, v26;
	v32 =	vld [tilespmem:s0+$0xFFFFFFE0];
	[tilespmem:s26+$0xFFFFFFE0] =	vst v20;
	v33 =	vsub.f32 v34, v8  }
0xa0: {  	v17 =	vadd.f32 v21, v17;
	v21 =	vsub.f32 v25, v10;
	v25 =	vmul.f32 v28, v28;
	v28 =	vld [tilespmem:s31+$0xFFFFFFF0];
	s31 =	smov.u32 s0;
	s0 =	smov.u32 s13  }
0xa1: {  	vm10 =	vgt.f32 v20, v15;
	v24 =	vmul.f32 v24, v24;
	v26 =	vadd.f32 v29, v26;
	v29 =	vld [tilespmem:s30+$0xFFFFFFF0];
	s30 =	smov.u32 s1;
	s1 =	smov.u32 s17  }
0xa2: {  	v34 =	vmin.f32 v35, v17;
	v17 =	vmul.f32 v21, v21;
	v35 =	vld [tilespmem:s29+$0xFFFFFFF0];
	v21 =	vsub.f32 v31, v9;
	s29 =	smov.u32 s10;
	s10 =	smov.u32 s9  }
0xa3: {  	s6 =	sadd.s32 $0x8, s6;
	s2 =	sadd.s32 $0xFFFFFFFB, s11;
	vm9 =	vgt.f32 v34, v18;
	[tilespmem:s8+$0xFFFFFFC0] =	vst v34;
	v26 =	vadd.f32 v26, v24;
	v31 =	vld [tilespmem:s29+$0xFFFFFFE0];
	v22 =	vsub.f32 v22, v10  }
0xa4: {  	v23 =	vsel vm10, s2, v23;
	v24 =	vmul.f32 v33, v33;
	v37 =	vld [tilespmem:s9+$0xFFFFFFD0];
	v25 =	vadd.f32 v25, v17  }
0xa5: {  	v15 =	vsel vm10, v20, v15;
	v33 =	vld [tilespmem:s13+$0xFFFFFFD0];
	v17 =	vmin.f32 v36, v26;
	v26 =	vsub.f32 v32, v9  }
0xa6: {  	v28 =	vsub.f32 v28, v9;
	v36 =	vmul.f32 v21, v21;
	[tilespmem:s8+$0x0] =	vst v17;
	v20 =	vadd.f32 v25, v30;
	v21 =	vld [tilespmem:s26+$0x30]  }
0xa7: {  	v18 =	vsel vm9, v34, v18;
	v32 =	vld [tilespmem:s17+$0xFFFFFFD0];
	v26 =	vmul.f32 v26, v26;
	v30 =	vsub.f32 v35, v8  }
0xa8: {  	v40 =	vmul.f32 v28, v28;
	v39 =	vld [tilespmem:s30+$0xFFFFFFE0];
	v31 =	vsub.f32 v31, v8;
	v25 =	vmin.f32 v27, v20  }
0xa9: {  	v29 =	vsub.f32 v29, v10;
	v28 =	vsub.f32 v37, v8;
	v41 =	vld [tilespmem:s13+$0x10];
	[tilespmem:s28+$0x10] =	vst v25;
	v27 =	vmul.f32 v30, v30  }
.Ltmp1:
0xaa: {  	s2 =	sadd.s32 $0xFFFFFFF9, s6;
	v22 =	vmul.f32 v22, v22;
	v33 =	vsub.f32 v33, v9;
	v20 =	vmul.f32 v31, v31;
	v34 =	vld [tilespmem:s31+$0x20];
	(pc) =	sbr.rel @p1 .LBB2_5-.Ltmp1, $4  }
0xab: {  	v19 =	vsel vm9, s2, v19;
	vm9 =	vgt.f32 v38, v15;
	v30 =	vmul.f32 v28, v28;
	v35 =	vld [tilespmem:s30+$0x20]  }
0xac: {  	v42 =	vmul.f32 v29, v29;
	v28 =	vsub.f32 v32, v10;
	v33 =	vmul.f32 v33, v33;
	v37 =	vld [tilespmem:s29+$0x20]  }
0xad: {  	v15 =	vsel vm9, v38, v15;
	v31 =	vadd.f32 v36, v22;
	v32 =	vsub.f32 v39, v10;
	v29 =	vld [tilespmem:s26+$0xFFFFFFF0]  }
0xae: {  	s24 =	sadd.s32 $0xFFFFFFFF, s11;
	s17 =	sadd.s32 $0x80, s17;
	s13 =	sadd.s32 $0x80, s13;
	v36 =	vadd.f32 v40, v42;
	v38 =	vmul.f32 v28, v28;
	v28 =	vsub.f32 v41, v9;
	v22 =	vld [tilespmem:s28+$0xFFFFFFE0]  }
0xaf: {  	v39 =	vld [tilespmem:s1+$0x10];
	_ =	sdelay $0x1  }
0xb0: {  	v40 =	vld [tilespmem:s10+$0x10]  }
0xb1: {  	v34 =	vsub.f32 v34, v9;
	v32 =	vmul.f32 v32, v32;
	v33 =	vadd.f32 v33, v38  }
0xb2: {  	v23 =	vsel vm9, s24, v23;
	v24 =	vadd.f32 v31, v24;
	vm10 =	vgt.f32 v25, v16  }
0xb3: {  	vm12 =	vgt.f32 v17, v18;
	v30 =	vadd.f32 v33, v30;
	v39 =	vsub.f32 v39, v10  }
0xb4: {  	v62 =	vld [tilespmem:s28+$0x20];
	v35 =	vsub.f32 v35, v10;
	v28 =	vmul.f32 v28, v28;
	v26 =	vadd.f32 v26, v32  }
0xb5: {  	v41 =	vld [tilespmem:s5+$0x10];
	v63 =	vsub.f32 v40, v8;
	v30 =	vmin.f32 v14, v30;
	v39 =	vmul.f32 v39, v39  }
0xb6: {  	v61 =	vld [tilespmem:s5+$0xFFFFFFE0];
	v37 =	vsub.f32 v37, v8;
	v34 =	vmul.f32 v34, v34;
	v20 =	vadd.f32 v26, v20;
	[tilespmem:s5+$0xFFFFFFD0] =	vst v30  }
0xb7: {  	v35 =	vmul.f32 v35, v35;
	v42 =	vmul.f32 v63, v63;
	v47 =	vld [tilespmem:s0+$0xFFFFFFE0];
	v28 =	vadd.f32 v28, v39  }
0xb8: {  	v46 =	vadd.f32 v36, v27;
	v25 =	vsel vm10, v25, v16;
	v20 =	vmin.f32 v22, v20;
	v50 =	vld [tilespmem:s1+$0xFFFFFFE0]  }
0xb9: {  	s24 =	sadd.s32 $0xFFFFFFFD, s6;
	v37 =	vmul.f32 v37, v37;
	v34 =	vadd.f32 v34, v35;
	[tilespmem:s28+$0xFFFFFFE0] =	vst v20;
	v52 =	vld [tilespmem:s10+$0xFFFFFFE0];
	v28 =	vadd.f32 v28, v42  }
0xba: {  	v17 =	vsel vm12, v17, v18;
	v19 =	vsel vm12, s24, v19;
	v14 =	vmin.f32 v29, v46;
	v54 =	vld [tilespmem:s31+$0xFFFFFFF0]  }
0xbb: {  	vm11 =	vgt.f32 v14, v12;
	v34 =	vadd.f32 v34, v37;
	v56 =	vld [tilespmem:s30+$0xFFFFFFF0];
	v28 =	vmin.f32 v41, v28  }
0xbc: {  	s2 =	sadd.s32 $0xFFFFFFFC, s11;
	v16 =	vmin.f32 v21, v24;
	vm9 =	vgt.f32 v30, v25;
	v12 =	vsel vm11, v14, v12;
	v57 =	vld [tilespmem:s29+$0xFFFFFFF0];
	[tilespmem:s5+$0x10] =	vst v28  }
0xbd: {  	v11 =	vsel vm11, s2, v11;
	v25 =	vsel vm9, v30, v25;
	v34 =	vmin.f32 v62, v34;
	v48 =	vld [tilespmem:s0+$0x20]  }
0xbe: {  	vm11 =	vgt.f32 v16, v12;
	[tilespmem:s28+$0x20] =	vst v34;
	v27 =	vsub.f32 v47, v9;
	v21 =	vsub.f32 v50, v10;
	v49 =	vld [tilespmem:s1+$0x20]  }
0xbf: {  	v11 =	vsel vm11, s11, v11;
	v12 =	vsel vm11, v16, v12;
	v43 =	vld [tilespmem:s29+$0x30];
	s29 =	sadd.s32 $0xFFFFFFFE, s7;
	v18 =	vsub.f32 v52, v8  }
0xc0: {  	v13 =	vsel vm10, s29, v13;
	v27 =	vmul.f32 v27, v27;
	v21 =	vmul.f32 v21, v21;
	v51 =	vld [tilespmem:s10+$0x20]  }
0xc1: {  	v44 =	vld [tilespmem:s31+$0x30];
	vm10 =	vgt.f32 v20, v15;
	v29 =	vsub.f32 v54, v9;
	v60 =	vsub.f32 v56, v10  }
0xc2: {  	v45 =	vld [tilespmem:s30+$0x30];
	s30 =	sadd.s32 $0xFFFFFFFA, s6;
	v62 =	vsub.f32 v57, v8;
	v18 =	vmul.f32 v18, v18;
	v21 =	vadd.f32 v27, v21  }
0xc3: {  	s31 =	sadd.s32 $0xFFFFFFFB, s7;
	v13 =	vsel vm9, s30, v13;
	v31 =	vsub.f32 v48, v9;
	v26 =	vsub.f32 v49, v10  }
0xc4: {  	v23 =	vsel vm10, s31, v23;
	v15 =	vsel vm10, v20, v15;
	v18 =	vadd.f32 v21, v18  }
0xc5: {  	v22 =	vsub.f32 v51, v8;
	v31 =	vmul.f32 v31, v31;
	v26 =	vmul.f32 v26, v26  }
0xc6: {  	v59 =	vld [tilespmem:s5+$0x20];
	v57 =	vshll.u32 v19, $0x4;
	v55 =	vsub.f32 v44, v9;
	v18 =	vmin.f32 v61, v18  }
0xc7: {  	v40 =	vld [tilespmem:s28+$0xFFFFFFF0];
	v58 =	vsub.f32 v45, v10;
	[tilespmem:s5+$0xFFFFFFE0] =	vst v18;
	v22 =	vmul.f32 v22, v22;
	v26 =	vadd.f32 v31, v26  }
0xc8: {  	v63 =	vmul.f32 v29, v29;
	v38 =	vmul.f32 v60, v60;
	v53 =	vsub.f32 v43, v8;
	v45 =	vld [tilespmem:s0+$0xFFFFFFF0]  }
0xc9: {  	v39 =	vmul.f32 v55, v55;
	v42 =	vmul.f32 v58, v58;
	v46 =	vld [tilespmem:s1+$0xFFFFFFF0];
	v22 =	vadd.f32 v26, v22  }
0xca: {  	v41 =	vld [tilespmem:s28+$0x30];
	vm9 =	vgt.f32 v34, v15;
	v27 =	vadd.f32 v63, v38;
	v26 =	vmul.f32 v62, v62  }
0xcb: {  	v24 =	vmul.f32 v53, v53;
	v31 =	vadd.f32 v39, v42;
	v22 =	vmin.f32 v59, v22  }
0xcc: {  	s8 =	sadd.s32 $0xFFFFFFFF, s7;
	vm10 =	vgt.f32 v28, v25;
	v15 =	vsel vm9, v34, v15;
	v48 =	vld [tilespmem:s10+$0xFFFFFFF0];
	v26 =	vadd.f32 v27, v26;
	[tilespmem:s5+$0x20] =	vst v22  }
0xcd: {  	v23 =	vsel vm9, s8, v23;
	v25 =	vsel vm10, v28, v25;
	v24 =	vadd.f32 v31, v24;
	v44 =	vld [tilespmem:s0+$0x30]  }
0xce: {  	s11 =	sadd.s32 $0xFFFFFFFE, s6;
	v20 =	vsub.f32 v45, v9;
	v50 =	vsub.f32 v46, v10;
	v26 =	vmin.f32 v40, v26;
	v47 =	vld [tilespmem:s1+$0x30]  }
0xcf: {  	v13 =	vsel vm10, s11, v13;
	v21 =	vmin.f32 v41, v24;
	v43 =	vld [tilespmem:s10+$0x30];
	vm9 =	vgt.f32 v26, v12  }
0xd0: {  	s9 =	sadd.s32 $0xFFFFFFFC, s7;
	v20 =	vmul.f32 v20, v20;
	v51 =	vmul.f32 v50, v50;
	v12 =	vsel vm9, v26, v12  }
0xd1: {  	v13 =	vshll.u32 v13, $0x4;
	v11 =	vsel vm9, s9, v11;
	vm9 =	vgt.f32 v21, v12  }
0xd2: {  	vm10 =	vlt.s32 v13, v57;
	v53 =	vadd.f32 v20, v51;
	v11 =	vsel vm9, s7, v11  }
0xd3: {  	v12 =	vsel vm9, v21, v12;
	v9 =	vsub.f32 v44, v9;
	v10 =	vsub.f32 v47, v10  }
0xd4: {  	vm9 =	vgt.f32 v18, v15;
	v49 =	vsub.f32 v43, v8;
	v8 =	vsub.f32 v48, v8  }
0xd5: {  	s12 =	sadd.s32 $0xFFFFFFFB, s6;
	v52 =	vld [tilespmem:s5+$0xFFFFFFF0];
	v15 =	vsel vm9, v18, v15;
	v9 =	vmul.f32 v9, v9;
	v10 =	vmul.f32 v10, v10  }
0xd6: {  	s13 =	sadd.s32 $0xFFFFFFFF, s6;
	v23 =	vsel vm9, s12, v23;
	vm9 =	vgt.f32 v22, v15;
	v8 =	vmul.f32 v8, v8  }
0xd7: {  	v55 =	vld [tilespmem:s5+$0x30];
	v54 =	vmul.f32 v49, v49;
	v56 =	vsel vm9, s13, v23;
	v9 =	vadd.f32 v9, v10  }
0xd8: {  	v10 =	vsel vm9, v22, v15;
	v8 =	vadd.f32 v53, v8;
	vm9 =	veq.f32 v25, v17  }
0xd9: {  	vm12 =	vgt.f32 v25, v17;
	vm9 =	vmand vm9, vm10  }
0xda: {  	v9 =	vadd.f32 v9, v54;
	v8 =	vmin.f32 v52, v8;
	vm9 =	vmor vm12, vm9  }
0xdb: {  	v15 =	vshll.u32 v56, $0x4;
	vm11 =	vgt.f32 v8, v12;
	v17 =	vsel vm9, v25, v17  }
0xdc: {  	s17 =	sadd.s32 $0xFFFFFFFC, s6;
	v13 =	vsel vm9, v13, v57;
	v9 =	vmin.f32 v55, v9;
	v12 =	vsel vm11, v8, v12  }
0xdd: {  	v11 =	vsel vm11, s17, v11;
	vm9 =	veq.f32 v10, v17;
	vm10 =	vlt.s32 v15, v13  }
0xde: {  	vm12 =	vgt.f32 v10, v17;
	vm11 =	vgt.f32 v9, v12;
	vm9 =	vmand vm9, vm10  }
0xdf: {  	v11 =	vsel vm11, s6, v11;
	v12 =	vsel vm11, v9, v12;
	vm9 =	vmor vm12, vm9  }
0xe0: {  	v10 =	vsel vm9, v10, v17;
	v13 =	vsel vm9, v15, v13;
	v11 =	vshll.u32 v11, $0x4  }
0xe1: {  	vm9 =	veq.f32 v12, v10;
	vm10 =	vlt.s32 v11, v13  }
0xe2: {  	vm11 =	vgt.f32 v12, v10;
	vm9 =	vmand vm9, vm10  }
0xe3: {  	vm9 =	vmor vm11, vm9  }
0xe4: {  	v10 =	vsel vm9, v12, v10  }
0xe5: {  	(xrf0) =	vmax.scan.msk.f32 $0xffff, v10;
	_ =	sdelay $0x5  }
0xe6: {  	v58, _, _ =	vpop (xrf0)  }
0xe7: {  	v12 =	vbroadcast v58, $0xF  }
0xe8: {  	v11 =	vsel vm9, v11, v13  }
0xe9: {  	vm9 =	veq.f32 v10, v12;
	v10 =	vxor.u32 v6, v11  }
0xea: {  	v10 =	vnsel vm9, $0xC0000000, v10  }
0xeb: {  	(xrf0) =	vmin.scan.msk.u32 $0xffff, v10;
	_ =	sdelay $0x5  }
0xec: {  	v10, _, _ =	vpop (xrf0)  }
0xed: {  	(v2sf) =	vpush v10, $0xF;
	_ =	sdelay $0xe  }
0xee: {  	s21 =	spop (v2sf)  }
0xef: {  	[tilespmem:s26+$0x30] =	vst v16;
	s0 =	sxor.u32 $0x80000000, s21  }
0xf0: {  	[tilespmem:s26+$0xFFFFFFF0] =	vst v14;
	v10 =	vmov s0  }
0xf1: {  	[tilespmem:s28+$0x30] =	vst v21  }
0xf2: {  	[tilespmem:s28+$0xFFFFFFF0] =	vst v26  }
0xf3: {  	[tilespmem:s5+$0xFFFFFFF0] =	vst v8  }
0xf4: {  	[tilespmem:s5+$0x30] =	vst v9  }
0xf5: {  	v8 =	vld.idx.msk [tilespmem:v10+s15+$0x0], $0xffff  }
0xf6: {  	v9 =	vld.idx.msk [tilespmem:v10+s16+$0x0], $0xffff  }
0xf7: {  	v10 =	vld.idx.msk [tilespmem:v10+s3+$0x0], $0xffff;
	_ =	sdelay $0x1  }
0xf8: {  	s0 =	sadd.s32 s4, s0  }
0xf9: {  	v11 =	vmov s0  }
0xfa: {  	v11 =	vcvt.s32.f32 v11;
	v8 =	vsel vm4, v9, v8  }
0xfb: {  	s24 =	sshll.u32 s25, $0x8;
	v8 =	vsel vm5, v8, v10  }
0xfc: {  	s26 =	rddreg [dreg:$0x3];
	s0 =	sand.u32 $0x100, s24;
	v8 =	vsel vm6, v8, v11  }
0xfd: {  	s0 =	sadd.s32 s0, s26;
	v8 =	vsel vm7, v8, v12  }
0xfe: {  	s28 =	simm.s32 $0x1000;
	s1 =	sadd.s32 s20, s0;
	[tilespmem:$0x1000] =	vst v8  }
0xff: {  	[spmem:s1] =	stream.linear.scatter [tilespmem:s28], [sflag:$0x1], $0x10, $0x38;
	[tilespmem:$0x31A0] =	vst v63  }
0x100: {  	_ =	swait.ge [sflag:s14], $0x10  }
0x101: {  	[sflag:s14] =	ssyncset.done $0x0  }
0x102: {  	[sflag:s14] =	ssyncadd.s32 $0xFFFFFFF0  }
0x103: {  	s0 =	sadd.s32 s22, s0;
	[bflag:$0x0] =	sbarrier.arrive $0xFFFF  }
0x104: {  	[tilespmem:s23], [sflag:$0x1] =	stream.linear.gather [spmem:s0], $0x80, $0x38;
	[tilespmem:$0x31A0] =	vst v63  }
0x105: {  	_ =	swait.ge [sflag:s14], $0x80  }
0x106: {  	[sflag:s14] =	ssyncset.done $0x0  }
0x107: {  	[sflag:s14] =	ssyncadd.s32 $0xFFFFFF80  }
0x108: {  	v8 =	vld.idx.msk [tilespmem:v5+s23+$0x0], $0xffff;
	_ =	sdelay $0x4  }
0x109: {  	v8 =	vnsel vm8, $0xBF800000, v8  }
0x10a: {  	(xrf0) =	vmax.scan.msk.f32 $0xffff, v8  }
0x10b: {  	v9 =	vld.idx.msk [tilespmem:v7+s23+$0x0], $0xffff;
	_ =	sdelay $0x4  }
0x10c: {  	v9 =	vtrunc.f32 v9;
	v10, _, _ =	vpop (xrf0)  }
0x10d: {  	v9 =	vcvt.f32.s32 v9;
	v10 =	vbroadcast v10, $0xF;
	_ =	sdelay $0x1  }
0x10e: {  	vm9 =	veq.f32 v8, v10;
	v8 =	vxor.u32 $0x80000000, v9  }
0x10f: {  	v8 =	vnsel vm9, $0xC0000000, v8  }
0x110: {  	(xrf0) =	vmin.scan.msk.u32 $0xffff, v8;
	_ =	sdelay $0x5  }
0x111: {  	v8, _, _ =	vpop (xrf0)  }
0x112: {  	(v2sf) =	vpush v8, $0xF;
	_ =	sdelay $0xe  }
0x113: {  	s29 =	spop (v2sf)  }
0x114: {  	s0 =	sxor.u32 $0x80000000, s29  }
0x115: {  	v11 =	vmov s0  }
0x116: {  	vm10 =	veq.s32 v11, v9  }
0x117: {  	vm9 =	vmand vm9, vm10  }
0x118: {  	v8 =	vnsel vm9, $0xC0000000, v6  }
0x119: {  	(xrf0) =	vmin.scan.msk.u32 $0xffff, v8;
	_ =	sdelay $0x5  }
0x11a: {  	v8, _, _ =	vpop (xrf0)  }
0x11b: {  	(v2sf) =	vpush v8, $0xF;
	_ =	sdelay $0xe  }
0x11c: {  	s30 =	spop (v2sf)  }
0x11d: {  	s0 =	sshll.u32 s30, $0x4  }
0x11e: {  	v8 =	vmov s0  }
0x11f: {  	v9 =	vor.u32 $0x3, v8  }
0x120: {  	v10 =	vor.u32 $0x4, v8  }
0x121: {  	s31 =	smul.u32 $0x3, s25;
	v59 =	vor.u32 $0x2, v8;
	_ =	sdelay $0x1  }
0x122: {  	s0 =	sadd.s32 $0xFFFFFFFE, s31  }
0x123: {  	v60 =	vadd.s32 s0, v4;
	v8 =	vld.idx.msk [tilespmem:v9+s23+$0x0], $0xffff  }
0x124: {  	vm9 =	vgt.s32 v60, $0x0;
	v9 =	vld.idx.msk [tilespmem:v10+s23+$0x0], $0xffff  }
0x125: {  	v61 =	vnsel vm9, $0x0, v60;
	v10 =	vld.idx.msk [tilespmem:v59+s23+$0x0], $0xffff  }
0x126: {  	v62 =	vmov s25;
	s25 =	sadd.s32 $0x1, s25;
	v12 =	vmin.u32 v61, $0x17FF  }
0x127: {  	p1 =	sne.s32 s25, $0x800  }
.Ltmp2:
0x128: {  	_ = 	snop;
	(pc) =	sbr.rel @p1 .LBB2_4-.Ltmp2, $4  }
0x129: {  	v63 =	vsel vm1, v9, v8  }
0x12a: {  	v14 =	vsel vm2, v63, v10  }
0x12b: {  	[tilespmem:v12+s18+$0x0] =	vst.idx.msk vm3, v14  }
0x12c: {  	[tilespmem:v62+s19+$0x0] =	vst.idx.msk $0x1, v11  }
0x12d: {  	s0 =	simm.s32 @!p0 $0x0;
	s1 =	simm.s32 @!p0 $0x1180;
	s2 =	rddreg [dreg:$0xb]  }
0x12e: {  	[hbm4b:s2+s0] =	stream.linear.scatter @!p0 [tilespmem:s1], [sflag:$0x1], $0x1800, $0x38;
	[tilespmem:$0x31A0] =	vst v63  }
0x12f: {  	s1 =	simm.s32 @!p0 $0x1  }
0x130: {  	_ =	swait.ge @!p0 [sflag:s1], $0x1800  }
0x131: {  	[sflag:s1] =	ssyncset.done @!p0 $0x0  }
0x132: {  	s2 =	simm.s32 @!p0 $0x2980;
	s5 =	rddreg [dreg:$0xc];
	[sflag:s1] =	ssyncadd.s32 @!p0 $0xFFFFE800  }
0x133: {  	[hbm4b:s5+s0] =	stream.linear.scatter @!p0 [tilespmem:s2], [sflag:$0x1], $0x800, $0x38;
	[tilespmem:$0x31A0] =	vst v63  }
0x134: {  	_ =	swait.ge @!p0 [sflag:s1], $0x800  }
0x135: {  	s30 =	rddreg [dreg:$0xe]  }
0x136: {  	s31 =	rddreg [dreg:$0xd];
	s2 =	sadd.s32 $0x1, s30  }
0x137: {  	p1 =	sne.s32 s2, s31  }
.Ltmp3:
0x138: {  	_ = 	snop;
	(pc) =	sbr.rel @p1 .LBB2_1-.Ltmp3, $3  }
0x139: {  	_ =	sdelay $0x1  }
0x13a: {  	[sflag:s1] =	ssyncset.done @!p0 $0x0  }
0x13b: {  	[sflag:s1] =	ssyncadd.s32 @!p0 $0xFFFFF800  }
0x13c: {  	_ =	sfence.sel $0x180000  }
0x13d: {  	[bflag:$0x0] =	sbarrier.arrive $0xFFFF  }
0x13e: {  	_ =	strace $0x90000047  }
0x13f: {  	s0 =	stileid.u32;
	[bflag:$0x2] =	sbarrier.arrive $0xFFFF  }
0x140: {  	p0 =	sne.s32 s0, $0x0;
	s0 =	rddreg [dreg:$0x4]  }
0x141: {  	s0 =	sadd.s32 @!p0 $0x100000, s0  }
0x142: {  	[sflag:s0] =	ssyncadd.tile.s32 @!p0 $0x1;
	_ =	shalt  }
.Lfunc_end2:
_tile_overlayer_lowered:
.L_overlay_start_2:
0x143: {  	(tag) =	ssettag $0x2  }
0x144: {  	s0 =	rddreg [dreg:$0x0];
	s2 =	stileid.u32  }
0x145: {  	s1 =	rddreg [dreg:$0x1];
	p0 =	sne.s32 s2, $0x0  }
0x146: {  	s3 =	rddreg [dreg:$0x2];
	[bflag:$0x3] =	sbarrier.arrive $0xFFFF;
	s2 =	simm.s32 @!p0 $0x1C01  }
0x147: {  	[timem:s3], [sflag:s2] =	dma.local @!p0 [hbm:s0], s1  }
0x148: {  	s0 =	simm.s32 @!p0 $0x1  }
0x149: {  	_ =	swait.ge @!p0 [sflag:s0], s1  }
0x14a: {  	s1 =	ssub.s32 @!p0 $0x0, s1;
	[sflag:s0] =	ssyncset.done @!p0 $0x0  }
0x14b: {  	[sflag:s0] =	ssyncadd.s32 @!p0 s1  }
0x14c: {  	[bflag:$0x3] =	sbarrier.arrive $0xFFFF  }
0x14d: {  	_ =	shalt  }

</sc_bundles>
